<compile_context>
chip_gen: v7x
topology: tpu7x:2x2x1
jax: 0.10.2.dev20260603
libtpu: 0.0.44.dev20260713+nightly
codegen_flags: <defaults>
</compile_context>

<pallas_src>
import functools

import jax
import jax.numpy as jnp
from jax import lax
from jax.experimental import pallas as pl
from jax.experimental.pallas import tpu as pltpu

_BATCH = 4096
_N_FIELDS = 26
_CARD = 200
_OUT_COLS = _N_FIELDS * _CARD
_LANES = 128
_NWIN = (_OUT_COLS + _LANES - 1) // _LANES
_R = 512
_SPLIT = 1536


def _make_body(out_dtype):
    def _body(x_ref, o_ref):
        y = x_ref[...] + _CARD * lax.broadcasted_iota(
            jnp.int32, (1, _N_FIELDS), 1)
        for j in range(_NWIN):
            lo = j * _LANES
            width = min(_LANES, _OUT_COLS - lo)
            i0 = lo // _CARD
            i1 = min(_N_FIELDS - 1, (lo + width - 1) // _CARD)
            c = lo + lax.broadcasted_iota(jnp.int32, (_R, width), 1)
            m = y[:, i0:i0 + 1] == c
            if i1 != i0:
                m = m | (y[:, i1:i1 + 1] == c)
            o_ref[:, lo:lo + width] = m if out_dtype == jnp.bool_ else (
                m.astype(out_dtype))
    return _body


def _onehot_part(x_part, out_dtype):
    rows = x_part.shape[0]
    return pl.pallas_call(
        _make_body(out_dtype),
        grid=(rows // _R,),
        in_specs=[pl.BlockSpec((_R, _N_FIELDS), lambda i: (i, 0))],
        out_specs=pl.BlockSpec((_R, _OUT_COLS), lambda i: (i, 0)),
        out_shape=jax.ShapeDtypeStruct((rows, _OUT_COLS), out_dtype),
        compiler_params=pltpu.CompilerParams(
            dimension_semantics=("arbitrary",)),
    )(x_part)


@jax.jit
def _onehot(x):
    out_b = _onehot_part(x[_SPLIT:], jnp.bool_).astype(jnp.int32)
    out_a = _onehot_part(x[:_SPLIT], jnp.int32)
    return jnp.concatenate([out_a, out_b], axis=0)


def kernel(x):
    return _onehot(x)

# --- scband reference (transcript-rebuilt; emitter-appended) ---
"""Pipeline reference for scband-one-hot-encoder-76914274337026 (READ-ONLY COPY).

The authoritative reference and input builder live on the scoring server;
editing this copy changes nothing except your own understanding.
"""

import jax, jax.numpy as jnp
import numpy as np

CARDINALITIES = [200] * 26
BATCH = 4096
N_FIELDS = 26


def setup_inputs(seed: int = 0) -> dict:
    key = jax.random.key(seed)
    x = jax.random.randint(key, (BATCH, N_FIELDS), 0, 200, dtype=jnp.int32)
    return {"x": x}


def reference(x):
    # Faithful translation of OneHotEncoder.forward:
    # for each column i, one_hot(x[..., i], cardinalities[i]), then concat on last axis.
    encoded_columns = []
    for column, cardinality in zip(range(x.shape[-1]), CARDINALITIES):
        col = x[..., column]
        onehot = (col[..., None] == jnp.arange(cardinality, dtype=col.dtype)).astype(jnp.int32)
        encoded_columns.append(onehot)
    return jnp.concatenate(encoded_columns, axis=-1)

if __name__ == "__main__":
    import jax
    _d = setup_inputs()
    print(jax.jit(kernel)(*tuple(_d.values())))

</pallas_src>

<mosaic_0001>
module attributes {stable_mosaic.version = 14 : i64} {
  func.func @_body(%arg0: i32, %arg1: memref<512x26xi32, #tpu.memory_space<vmem>>, %arg2: memref<512x5200xi32, #tpu.memory_space<vmem>>) attributes {dimension_semantics = [#tpu.dimension_semantics<arbitrary>], iteration_bounds = array<i64: 3>, scalar_prefetch = 0 : i64, scratch_operands = 0 : i64, tpu.core_type = #tpu.core_type<tc>, window_params = [{transform_indices = @transform_0, window_bounds = array<i64: 512, 26>}, {transform_indices = @transform_1, window_bounds = array<i64: 512, 5200>}]} {
    %get3A = arith.constant 0 : index
    %get3A_0 = arith.constant 0 : index
    %get3A_1 = vector.load %arg1[%get3A, %get3A_0] : memref<512x26xi32, #tpu.memory_space<vmem>>, vector<512x26xi32>
    %iota3A = tpu.iota {dimensions = array<i32: 1>} : vector<1x26xi32>
    %mul3A = arith.constant 200 : i32
    %mul3A_2 = vector.broadcast %mul3A : i32 to vector<1x26xi32>
    %mul3A_3 = arith.muli %mul3A_2, %iota3A : vector<1x26xi32>
    %add3A = vector.broadcast %mul3A_3 : vector<1x26xi32> to vector<512x26xi32>
    %add3A_4 = arith.addi %get3A_1, %add3A : vector<512x26xi32>
    %iota3A_5 = tpu.iota {dimensions = array<i32: 1>} : vector<512x128xi32>
    %add3A_6 = arith.constant 0 : i32
    %add3A_7 = vector.broadcast %add3A_6 : i32 to vector<512x128xi32>
    %add3A_8 = arith.addi %add3A_7, %iota3A_5 : vector<512x128xi32>
    %slice3A = vector.extract_strided_slice %add3A_4 {offsets = [0, 0], sizes = [512, 1], strides = [1, 1]} : vector<512x26xi32> to vector<512x1xi32>
    %eq3A = vector.broadcast %slice3A : vector<512x1xi32> to vector<512x128xi32>
    %eq3A_9 = arith.cmpi eq, %eq3A, %add3A_8 : vector<512x128xi32>
    %convert_element_type3A = arith.extui %eq3A_9 : vector<512x128xi1> to vector<512x128xi32>
    %swap3A = arith.constant 0 : index
    %swap3A_10 = arith.constant 0 : index
    %swap3A_11 = vector.load %arg2[%swap3A, %swap3A_10] : memref<512x5200xi32, #tpu.memory_space<vmem>>, vector<512x128xi32>
    tpu.vector_store %arg2[%swap3A, %swap3A_10], %convert_element_type3A {strides = array<i32>} : memref<512x5200xi32, #tpu.memory_space<vmem>>, vector<512x128xi32>,
    %iota3A_12 = tpu.iota {dimensions = array<i32: 1>} : vector<512x128xi32>
    %add3A_13 = arith.constant 128 : i32
    %add3A_14 = vector.broadcast %add3A_13 : i32 to vector<512x128xi32>
    %add3A_15 = arith.addi %add3A_14, %iota3A_12 : vector<512x128xi32>
    %slice3A_16 = vector.extract_strided_slice %add3A_4 {offsets = [0, 0], sizes = [512, 1], strides = [1, 1]} : vector<512x26xi32> to vector<512x1xi32>
    %eq3A_17 = vector.broadcast %slice3A_16 : vector<512x1xi32> to vector<512x128xi32>
    %eq3A_18 = arith.cmpi eq, %eq3A_17, %add3A_15 : vector<512x128xi32>
    %slice3A_19 = vector.extract_strided_slice %add3A_4 {offsets = [0, 1], sizes = [512, 1], strides = [1, 1]} : vector<512x26xi32> to vector<512x1xi32>
    %eq3A_20 = vector.broadcast %slice3A_19 : vector<512x1xi32> to vector<512x128xi32>
    %eq3A_21 = arith.cmpi eq, %eq3A_20, %add3A_15 : vector<512x128xi32>
    %or3A = arith.ori %eq3A_18, %eq3A_21 : vector<512x128xi1>
    %convert_element_type3A_22 = arith.extui %or3A : vector<512x128xi1> to vector<512x128xi32>
    %swap3A_23 = arith.constant 0 : index
    %swap3A_24 = arith.constant 128 : index
    %swap3A_25 = vector.load %arg2[%swap3A_23, %swap3A_24] : memref<512x5200xi32, #tpu.memory_space<vmem>>, vector<512x128xi32>
    tpu.vector_store %arg2[%swap3A_23, %swap3A_24], %convert_element_type3A_22 {strides = array<i32>} : memref<512x5200xi32, #tpu.memory_space<vmem>>, vector<512x128xi32>,
    %iota3A_26 = tpu.iota {dimensions = array<i32: 1>} : vector<512x128xi32>
    %add3A_27 = arith.constant 256 : i32
    %add3A_28 = vector.broadcast %add3A_27 : i32 to vector<512x128xi32>
    %add3A_29 = arith.addi %add3A_28, %iota3A_26 : vector<512x128xi32>
    %slice3A_30 = vector.extract_strided_slice %add3A_4 {offsets = [0, 1], sizes = [512, 1], strides = [1, 1]} : vector<512x26xi32> to vector<512x1xi32>
    %eq3A_31 = vector.broadcast %slice3A_30 : vector<512x1xi32> to vector<512x128xi32>
    %eq3A_32 = arith.cmpi eq, %eq3A_31, %add3A_29 : vector<512x128xi32>
    %convert_element_type3A_33 = arith.extui %eq3A_32 : vector<512x128xi1> to vector<512x128xi32>
    %swap3A_34 = arith.constant 0 : index
    %swap3A_35 = arith.constant 256 : index
    %swap3A_36 = vector.load %arg2[%swap3A_34, %swap3A_35] : memref<512x5200xi32, #tpu.memory_space<vmem>>, vector<512x128xi32>
    tpu.vector_store %arg2[%swap3A_34, %swap3A_35], %convert_element_type3A_33 {strides = array<i32>} : memref<512x5200xi32, #tpu.memory_space<vmem>>, vector<512x128xi32>,
    %iota3A_37 = tpu.iota {dimensions = array<i32: 1>} : vector<512x128xi32>
    %add3A_38 = arith.constant 384 : i32
    %add3A_39 = vector.broadcast %add3A_38 : i32 to vector<512x128xi32>
    %add3A_40 = arith.addi %add3A_39, %iota3A_37 : vector<512x128xi32>
    %slice3A_41 = vector.extract_strided_slice %add3A_4 {offsets = [0, 1], sizes = [512, 1], strides = [1, 1]} : vector<512x26xi32> to vector<512x1xi32>
    %eq3A_42 = vector.broadcast %slice3A_41 : vector<512x1xi32> to vector<512x128xi32>
    %eq3A_43 = arith.cmpi eq, %eq3A_42, %add3A_40 : vector<512x128xi32>
    %slice3A_44 = vector.extract_strided_slice %add3A_4 {offsets = [0, 2], sizes = [512, 1], strides = [1, 1]} : vector<512x26xi32> to vector<512x1xi32>
    %eq3A_45 = vector.broadcast %slice3A_44 : vector<512x1xi32> to vector<512x128xi32>
    %eq3A_46 = arith.cmpi eq, %eq3A_45, %add3A_40 : vector<512x128xi32>
    %or3A_47 = arith.ori %eq3A_43, %eq3A_46 : vector<512x128xi1>
    %convert_element_type3A_48 = arith.extui %or3A_47 : vector<512x128xi1> to vector<512x128xi32>
    %swap3A_49 = arith.constant 0 : index
    %swap3A_50 = arith.constant 384 : index
    %swap3A_51 = vector.load %arg2[%swap3A_49, %swap3A_50] : memref<512x5200xi32, #tpu.memory_space<vmem>>, vector<512x128xi32>
    tpu.vector_store %arg2[%swap3A_49, %swap3A_50], %convert_element_type3A_48 {strides = array<i32>} : memref<512x5200xi32, #tpu.memory_space<vmem>>, vector<512x128xi32>,
    %iota3A_52 = tpu.iota {dimensions = array<i32: 1>} : vector<512x128xi32>
    %add3A_53 = arith.constant 512 : i32
    %add3A_54 = vector.broadcast %add3A_53 : i32 to vector<512x128xi32>
    %add3A_55 = arith.addi %add3A_54, %iota3A_52 : vector<512x128xi32>
    %slice3A_56 = vector.extract_strided_slice %add3A_4 {offsets = [0, 2], sizes = [512, 1], strides = [1, 1]} : vector<512x26xi32> to vector<512x1xi32>
    %eq3A_57 = vector.broadcast %slice3A_56 : vector<512x1xi32> to vector<512x128xi32>
    %eq3A_58 = arith.cmpi eq, %eq3A_57, %add3A_55 : vector<512x128xi32>
    %slice3A_59 = vector.extract_strided_slice %add3A_4 {offsets = [0, 3], sizes = [512, 1], strides = [1, 1]} : vector<512x26xi32> to vector<512x1xi32>
    %eq3A_60 = vector.broadcast %slice3A_59 : vector<512x1xi32> to vector<512x128xi32>
    %eq3A_61 = arith.cmpi eq, %eq3A_60, %add3A_55 : vector<512x128xi32>
    %or3A_62 = arith.ori %eq3A_58, %eq3A_61 : vector<512x128xi1>
    %convert_element_type3A_63 = arith.extui %or3A_62 : vector<512x128xi1> to vector<512x128xi32>
    %swap3A_64 = arith.constant 0 : index
    %swap3A_65 = arith.constant 512 : index
    %swap3A_66 = vector.load %arg2[%swap3A_64, %swap3A_65] : memref<512x5200xi32, #tpu.memory_space<vmem>>, vector<512x128xi32>
    tpu.vector_store %arg2[%swap3A_64, %swap3A_65], %convert_element_type3A_63 {strides = array<i32>} : memref<512x5200xi32, #tpu.memory_space<vmem>>, vector<512x128xi32>,
    %iota3A_67 = tpu.iota {dimensions = array<i32: 1>} : vector<512x128xi32>
    %add3A_68 = arith.constant 640 : i32
    %add3A_69 = vector.broadcast %add3A_68 : i32 to vector<512x128xi32>
    %add3A_70 = arith.addi %add3A_69, %iota3A_67 : vector<512x128xi32>
    %slice3A_71 = vector.extract_strided_slice %add3A_4 {offsets = [0, 3], sizes = [512, 1], strides = [1, 1]} : vector<512x26xi32> to vector<512x1xi32>
    %eq3A_72 = vector.broadcast %slice3A_71 : vector<512x1xi32> to vector<512x128xi32>
    %eq3A_73 = arith.cmpi eq, %eq3A_72, %add3A_70 : vector<512x128xi32>
    %convert_element_type3A_74 = arith.extui %eq3A_73 : vector<512x128xi1> to vector<512x128xi32>
    %swap3A_75 = arith.constant 0 : index
    %swap3A_76 = arith.constant 640 : index
    %swap3A_77 = vector.load %arg2[%swap3A_75, %swap3A_76] : memref<512x5200xi32, #tpu.memory_space<vmem>>, vector<512x128xi32>
    tpu.vector_store %arg2[%swap3A_75, %swap3A_76], %convert_element_type3A_74 {strides = array<i32>} : memref<512x5200xi32, #tpu.memory_space<vmem>>, vector<512x128xi32>,
    %iota3A_78 = tpu.iota {dimensions = array<i32: 1>} : vector<512x128xi32>
    %add3A_79 = arith.constant 768 : i32
    %add3A_80 = vector.broadcast %add3A_79 : i32 to vector<512x128xi32>
    %add3A_81 = arith.addi %add3A_80, %iota3A_78 : vector<512x128xi32>
    %slice3A_82 = vector.extract_strided_slice %add3A_4 {offsets = [0, 3], sizes = [512, 1], strides = [1, 1]} : vector<512x26xi32> to vector<512x1xi32>
    %eq3A_83 = vector.broadcast %slice3A_82 : vector<512x1xi32> to vector<512x128xi32>
    %eq3A_84 = arith.cmpi eq, %eq3A_83, %add3A_81 : vector<512x128xi32>
    %slice3A_85 = vector.extract_strided_slice %add3A_4 {offsets = [0, 4], sizes = [512, 1], strides = [1, 1]} : vector<512x26xi32> to vector<512x1xi32>
    %eq3A_86 = vector.broadcast %slice3A_85 : vector<512x1xi32> to vector<512x128xi32>
    %eq3A_87 = arith.cmpi eq, %eq3A_86, %add3A_81 : vector<512x128xi32>
    %or3A_88 = arith.ori %eq3A_84, %eq3A_87 : vector<512x128xi1>
    %convert_element_type3A_89 = arith.extui %or3A_88 : vector<512x128xi1> to vector<512x128xi32>
    %swap3A_90 = arith.constant 0 : index
    %swap3A_91 = arith.constant 768 : index
    %swap3A_92 = vector.load %arg2[%swap3A_90, %swap3A_91] : memref<512x5200xi32, #tpu.memory_space<vmem>>, vector<512x128xi32>
    tpu.vector_store %arg2[%swap3A_90, %swap3A_91], %convert_element_type3A_89 {strides = array<i32>} : memref<512x5200xi32, #tpu.memory_space<vmem>>, vector<512x128xi32>,
    %iota3A_93 = tpu.iota {dimensions = array<i32: 1>} : vector<512x128xi32>
    %add3A_94 = arith.constant 896 : i32
    %add3A_95 = vector.broadcast %add3A_94 : i32 to vector<512x128xi32>
    %add3A_96 = arith.addi %add3A_95, %iota3A_93 : vector<512x128xi32>
    %slice3A_97 = vector.extract_strided_slice %add3A_4 {offsets = [0, 4], sizes = [512, 1], strides = [1, 1]} : vector<512x26xi32> to vector<512x1xi32>
    %eq3A_98 = vector.broadcast %slice3A_97 : vector<512x1xi32> to vector<512x128xi32>
    %eq3A_99 = arith.cmpi eq, %eq3A_98, %add3A_96 : vector<512x128xi32>
    %slice3A_100 = vector.extract_strided_slice %add3A_4 {offsets = [0, 5], sizes = [512, 1], strides = [1, 1]} : vector<512x26xi32> to vector<512x1xi32>
    %eq3A_101 = vector.broadcast %slice3A_100 : vector<512x1xi32> to vector<512x128xi32>
    %eq3A_102 = arith.cmpi eq, %eq3A_101, %add3A_96 : vector<512x128xi32>
    %or3A_103 = arith.ori %eq3A_99, %eq3A_102 : vector<512x128xi1>
    %convert_element_type3A_104 = arith.extui %or3A_103 : vector<512x128xi1> to vector<512x128xi32>
    %swap3A_105 = arith.constant 0 : index
    %swap3A_106 = arith.constant 896 : index
    %swap3A_107 = vector.load %arg2[%swap3A_105, %swap3A_106] : memref<512x5200xi32, #tpu.memory_space<vmem>>, vector<512x128xi32>
    tpu.vector_store %arg2[%swap3A_105, %swap3A_106], %convert_element_type3A_104 {strides = array<i32>} : memref<512x5200xi32, #tpu.memory_space<vmem>>, vector<512x128xi32>,
    %iota3A_108 = tpu.iota {dimensions = array<i32: 1>} : vector<512x128xi32>
    %add3A_109 = arith.constant 1024 : i32
    %add3A_110 = vector.broadcast %add3A_109 : i32 to vector<512x128xi32>
    %add3A_111 = arith.addi %add3A_110, %iota3A_108 : vector<512x128xi32>
    %slice3A_112 = vector.extract_strided_slice %add3A_4 {offsets = [0, 5], sizes = [512, 1], strides = [1, 1]} : vector<512x26xi32> to vector<512x1xi32>
    %eq3A_113 = vector.broadcast %slice3A_112 : vector<512x1xi32> to vector<512x128xi32>
    %eq3A_114 = arith.cmpi eq, %eq3A_113, %add3A_111 : vector<512x128xi32>
    %convert_element_type3A_115 = arith.extui %eq3A_114 : vector<512x128xi1> to vector<512x128xi32>
    %swap3A_116 = arith.constant 0 : index
    %swap3A_117 = arith.constant 1024 : index
    %swap3A_118 = vector.load %arg2[%swap3A_116, %swap3A_117] : memref<512x5200xi32, #tpu.memory_space<vmem>>, vector<512x128xi32>
    tpu.vector_store %arg2[%swap3A_116, %swap3A_117], %convert_element_type3A_115 {strides = array<i32>} : memref<512x5200xi32, #tpu.memory_space<vmem>>, vector<512x128xi32>,
    %iota3A_119 = tpu.iota {dimensions = array<i32: 1>} : vector<512x128xi32>
    %add3A_120 = arith.constant 1152 : i32
    %add3A_121 = vector.broadcast %add3A_120 : i32 to vector<512x128xi32>
    %add3A_122 = arith.addi %add3A_121, %iota3A_119 : vector<512x128xi32>
    %slice3A_123 = vector.extract_strided_slice %add3A_4 {offsets = [0, 5], sizes = [512, 1], strides = [1, 1]} : vector<512x26xi32> to vector<512x1xi32>
    %eq3A_124 = vector.broadcast %slice3A_123 : vector<512x1xi32> to vector<512x128xi32>
    %eq3A_125 = arith.cmpi eq, %eq3A_124, %add3A_122 : vector<512x128xi32>
    %slice3A_126 = vector.extract_strided_slice %add3A_4 {offsets = [0, 6], sizes = [512, 1], strides = [1, 1]} : vector<512x26xi32> to vector<512x1xi32>
    %eq3A_127 = vector.broadcast %slice3A_126 : vector<512x1xi32> to vector<512x128xi32>
    %eq3A_128 = arith.cmpi eq, %eq3A_127, %add3A_122 : vector<512x128xi32>
    %or3A_129 = arith.ori %eq3A_125, %eq3A_128 : vector<512x128xi1>
    %convert_element_type3A_130 = arith.extui %or3A_129 : vector<512x128xi1> to vector<512x128xi32>
    %swap3A_131 = arith.constant 0 : index
    %swap3A_132 = arith.constant 1152 : index
    %swap3A_133 = vector.load %arg2[%swap3A_131, %swap3A_132] : memref<512x5200xi32, #tpu.memory_space<vmem>>, vector<512x128xi32>
    tpu.vector_store %arg2[%swap3A_131, %swap3A_132], %convert_element_type3A_130 {strides = array<i32>} : memref<512x5200xi32, #tpu.memory_space<vmem>>, vector<512x128xi32>,
    %iota3A_134 = tpu.iota {dimensions = array<i32: 1>} : vector<512x128xi32>
    %add3A_135 = arith.constant 1280 : i32
    %add3A_136 = vector.broadcast %add3A_135 : i32 to vector<512x128xi32>
    %add3A_137 = arith.addi %add3A_136, %iota3A_134 : vector<512x128xi32>
    %slice3A_138 = vector.extract_strided_slice %add3A_4 {offsets = [0, 6], sizes = [512, 1], strides = [1, 1]} : vector<512x26xi32> to vector<512x1xi32>
    %eq3A_139 = vector.broadcast %slice3A_138 : vector<512x1xi32> to vector<512x128xi32>
    %eq3A_140 = arith.cmpi eq, %eq3A_139, %add3A_137 : vector<512x128xi32>
    %slice3A_141 = vector.extract_strided_slice %add3A_4 {offsets = [0, 7], sizes = [512, 1], strides = [1, 1]} : vector<512x26xi32> to vector<512x1xi32>
    %eq3A_142 = vector.broadcast %slice3A_141 : vector<512x1xi32> to vector<512x128xi32>
    %eq3A_143 = arith.cmpi eq, %eq3A_142, %add3A_137 : vector<512x128xi32>
    %or3A_144 = arith.ori %eq3A_140, %eq3A_143 : vector<512x128xi1>
    %convert_element_type3A_145 = arith.extui %or3A_144 : vector<512x128xi1> to vector<512x128xi32>
    %swap3A_146 = arith.constant 0 : index
    %swap3A_147 = arith.constant 1280 : index
    %swap3A_148 = vector.load %arg2[%swap3A_146, %swap3A_147] : memref<512x5200xi32, #tpu.memory_space<vmem>>, vector<512x128xi32>
    tpu.vector_store %arg2[%swap3A_146, %swap3A_147], %convert_element_type3A_145 {strides = array<i32>} : memref<512x5200xi32, #tpu.memory_space<vmem>>, vector<512x128xi32>,
    %iota3A_149 = tpu.iota {dimensions = array<i32: 1>} : vector<512x128xi32>
    %add3A_150 = arith.constant 1408 : i32
    %add3A_151 = vector.broadcast %add3A_150 : i32 to vector<512x128xi32>
    %add3A_152 = arith.addi %add3A_151, %iota3A_149 : vector<512x128xi32>
    %slice3A_153 = vector.extract_strided_slice %add3A_4 {offsets = [0, 7], sizes = [512, 1], strides = [1, 1]} : vector<512x26xi32> to vector<512x1xi32>
    %eq3A_154 = vector.broadcast %slice3A_153 : vector<512x1xi32> to vector<512x128xi32>
    %eq3A_155 = arith.cmpi eq, %eq3A_154, %add3A_152 : vector<512x128xi32>
    %convert_element_type3A_156 = arith.extui %eq3A_155 : vector<512x128xi1> to vector<512x128xi32>
    %swap3A_157 = arith.constant 0 : index
    %swap3A_158 = arith.constant 1408 : index
    %swap3A_159 = vector.load %arg2[%swap3A_157, %swap3A_158] : memref<512x5200xi32, #tpu.memory_space<vmem>>, vector<512x128xi32>
    tpu.vector_store %arg2[%swap3A_157, %swap3A_158], %convert_element_type3A_156 {strides = array<i32>} : memref<512x5200xi32, #tpu.memory_space<vmem>>, vector<512x128xi32>,
    %iota3A_160 = tpu.iota {dimensions = array<i32: 1>} : vector<512x128xi32>
    %add3A_161 = arith.constant 1536 : i32
    %add3A_162 = vector.broadcast %add3A_161 : i32 to vector<512x128xi32>
    %add3A_163 = arith.addi %add3A_162, %iota3A_160 : vector<512x128xi32>
    %slice3A_164 = vector.extract_strided_slice %add3A_4 {offsets = [0, 7], sizes = [512, 1], strides = [1, 1]} : vector<512x26xi32> to vector<512x1xi32>
    %eq3A_165 = vector.broadcast %slice3A_164 : vector<512x1xi32> to vector<512x128xi32>
    %eq3A_166 = arith.cmpi eq, %eq3A_165, %add3A_163 : vector<512x128xi32>
    %slice3A_167 = vector.extract_strided_slice %add3A_4 {offsets = [0, 8], sizes = [512, 1], strides = [1, 1]} : vector<512x26xi32> to vector<512x1xi32>
    %eq3A_168 = vector.broadcast %slice3A_167 : vector<512x1xi32> to vector<512x128xi32>
    %eq3A_169 = arith.cmpi eq, %eq3A_168, %add3A_163 : vector<512x128xi32>
    %or3A_170 = arith.ori %eq3A_166, %eq3A_169 : vector<512x128xi1>
    %convert_element_type3A_171 = arith.extui %or3A_170 : vector<512x128xi1> to vector<512x128xi32>
    %swap3A_172 = arith.constant 0 : index
    %swap3A_173 = arith.constant 1536 : index
    %swap3A_174 = vector.load %arg2[%swap3A_172, %swap3A_173] : memref<512x5200xi32, #tpu.memory_space<vmem>>, vector<512x128xi32>
    tpu.vector_store %arg2[%swap3A_172, %swap3A_173], %convert_element_type3A_171 {strides = array<i32>} : memref<512x5200xi32, #tpu.memory_space<vmem>>, vector<512x128xi32>,
    %iota3A_175 = tpu.iota {dimensions = array<i32: 1>} : vector<512x128xi32>
    %add3A_176 = arith.constant 1664 : i32
    %add3A_177 = vector.broadcast %add3A_176 : i32 to vector<512x128xi32>
    %add3A_178 = arith.addi %add3A_177, %iota3A_175 : vector<512x128xi32>
    %slice3A_179 = vector.extract_strided_slice %add3A_4 {offsets = [0, 8], sizes = [512, 1], strides = [1, 1]} : vector<512x26xi32> to vector<512x1xi32>
    %eq3A_180 = vector.broadcast %slice3A_179 : vector<512x1xi32> to vector<512x128xi32>
    %eq3A_181 = arith.cmpi eq, %eq3A_180, %add3A_178 : vector<512x128xi32>
    %convert_element_type3A_182 = arith.extui %eq3A_181 : vector<512x128xi1> to vector<512x128xi32>
    %swap3A_183 = arith.constant 0 : index
    %swap3A_184 = arith.constant 1664 : index
    %swap3A_185 = vector.load %arg2[%swap3A_183, %swap3A_184] : memref<512x5200xi32, #tpu.memory_space<vmem>>, vector<512x128xi32>
    tpu.vector_store %arg2[%swap3A_183, %swap3A_184], %convert_element_type3A_182 {strides = array<i32>} : memref<512x5200xi32, #tpu.memory_space<vmem>>, vector<512x128xi32>,
    %iota3A_186 = tpu.iota {dimensions = array<i32: 1>} : vector<512x128xi32>
    %add3A_187 = arith.constant 1792 : i32
    %add3A_188 = vector.broadcast %add3A_187 : i32 to vector<512x128xi32>
    %add3A_189 = arith.addi %add3A_188, %iota3A_186 : vector<512x128xi32>
    %slice3A_190 = vector.extract_strided_slice %add3A_4 {offsets = [0, 8], sizes = [512, 1], strides = [1, 1]} : vector<512x26xi32> to vector<512x1xi32>
    %eq3A_191 = vector.broadcast %slice3A_190 : vector<512x1xi32> to vector<512x128xi32>
    %eq3A_192 = arith.cmpi eq, %eq3A_191, %add3A_189 : vector<512x128xi32>
    %slice3A_193 = vector.extract_strided_slice %add3A_4 {offsets = [0, 9], sizes = [512, 1], strides = [1, 1]} : vector<512x26xi32> to vector<512x1xi32>
    %eq3A_194 = vector.broadcast %slice3A_193 : vector<512x1xi32> to vector<512x128xi32>
    %eq3A_195 = arith.cmpi eq, %eq3A_194, %add3A_189 : vector<512x128xi32>
    %or3A_196 = arith.ori %eq3A_192, %eq3A_195 : vector<512x128xi1>
    %convert_element_type3A_197 = arith.extui %or3A_196 : vector<512x128xi1> to vector<512x128xi32>
    %swap3A_198 = arith.constant 0 : index
    %swap3A_199 = arith.constant 1792 : index
    %swap3A_200 = vector.load %arg2[%swap3A_198, %swap3A_199] : memref<512x5200xi32, #tpu.memory_space<vmem>>, vector<512x128xi32>
    tpu.vector_store %arg2[%swap3A_198, %swap3A_199], %convert_element_type3A_197 {strides = array<i32>} : memref<512x5200xi32, #tpu.memory_space<vmem>>, vector<512x128xi32>,
    %iota3A_201 = tpu.iota {dimensions = array<i32: 1>} : vector<512x128xi32>
    %add3A_202 = arith.constant 1920 : i32
    %add3A_203 = vector.broadcast %add3A_202 : i32 to vector<512x128xi32>
    %add3A_204 = arith.addi %add3A_203, %iota3A_201 : vector<512x128xi32>
    %slice3A_205 = vector.extract_strided_slice %add3A_4 {offsets = [0, 9], sizes = [512, 1], strides = [1, 1]} : vector<512x26xi32> to vector<512x1xi32>
    %eq3A_206 = vector.broadcast %slice3A_205 : vector<512x1xi32> to vector<512x128xi32>
    %eq3A_207 = arith.cmpi eq, %eq3A_206, %add3A_204 : vector<512x128xi32>
    %slice3A_208 = vector.extract_strided_slice %add3A_4 {offsets = [0, 10], sizes = [512, 1], strides = [1, 1]} : vector<512x26xi32> to vector<512x1xi32>
    %eq3A_209 = vector.broadcast %slice3A_208 : vector<512x1xi32> to vector<512x128xi32>
    %eq3A_210 = arith.cmpi eq, %eq3A_209, %add3A_204 : vector<512x128xi32>
    %or3A_211 = arith.ori %eq3A_207, %eq3A_210 : vector<512x128xi1>
    %convert_element_type3A_212 = arith.extui %or3A_211 : vector<512x128xi1> to vector<512x128xi32>
    %swap3A_213 = arith.constant 0 : index
    %swap3A_214 = arith.constant 1920 : index
    %swap3A_215 = vector.load %arg2[%swap3A_213, %swap3A_214] : memref<512x5200xi32, #tpu.memory_space<vmem>>, vector<512x128xi32>
    tpu.vector_store %arg2[%swap3A_213, %swap3A_214], %convert_element_type3A_212 {strides = array<i32>} : memref<512x5200xi32, #tpu.memory_space<vmem>>, vector<512x128xi32>,
    %iota3A_216 = tpu.iota {dimensions = array<i32: 1>} : vector<512x128xi32>
    %add3A_217 = arith.constant 2048 : i32
    %add3A_218 = vector.broadcast %add3A_217 : i32 to vector<512x128xi32>
    %add3A_219 = arith.addi %add3A_218, %iota3A_216 : vector<512x128xi32>
    %slice3A_220 = vector.extract_strided_slice %add3A_4 {offsets = [0, 10], sizes = [512, 1], strides = [1, 1]} : vector<512x26xi32> to vector<512x1xi32>
    %eq3A_221 = vector.broadcast %slice3A_220 : vector<512x1xi32> to vector<512x128xi32>
    %eq3A_222 = arith.cmpi eq, %eq3A_221, %add3A_219 : vector<512x128xi32>
    %convert_element_type3A_223 = arith.extui %eq3A_222 : vector<512x128xi1> to vector<512x128xi32>
    %swap3A_224 = arith.constant 0 : index
    %swap3A_225 = arith.constant 2048 : index
    %swap3A_226 = vector.load %arg2[%swap3A_224, %swap3A_225] : memref<512x5200xi32, #tpu.memory_space<vmem>>, vector<512x128xi32>
    tpu.vector_store %arg2[%swap3A_224, %swap3A_225], %convert_element_type3A_223 {strides = array<i32>} : memref<512x5200xi32, #tpu.memory_space<vmem>>, vector<512x128xi32>,
    %iota3A_227 = tpu.iota {dimensions = array<i32: 1>} : vector<512x128xi32>
    %add3A_228 = arith.constant 2176 : i32
    %add3A_229 = vector.broadcast %add3A_228 : i32 to vector<512x128xi32>
    %add3A_230 = arith.addi %add3A_229, %iota3A_227 : vector<512x128xi32>
    %slice3A_231 = vector.extract_strided_slice %add3A_4 {offsets = [0, 10], sizes = [512, 1], strides = [1, 1]} : vector<512x26xi32> to vector<512x1xi32>
    %eq3A_232 = vector.broadcast %slice3A_231 : vector<512x1xi32> to vector<512x128xi32>
    %eq3A_233 = arith.cmpi eq, %eq3A_232, %add3A_230 : vector<512x128xi32>
    %slice3A_234 = vector.extract_strided_slice %add3A_4 {offsets = [0, 11], sizes = [512, 1], strides = [1, 1]} : vector<512x26xi32> to vector<512x1xi32>
    %eq3A_235 = vector.broadcast %slice3A_234 : vector<512x1xi32> to vector<512x128xi32>
    %eq3A_236 = arith.cmpi eq, %eq3A_235, %add3A_230 : vector<512x128xi32>
    %or3A_237 = arith.ori %eq3A_233, %eq3A_236 : vector<512x128xi1>
    %convert_element_type3A_238 = arith.extui %or3A_237 : vector<512x128xi1> to vector<512x128xi32>
    %swap3A_239 = arith.constant 0 : index
    %swap3A_240 = arith.constant 2176 : index
    %swap3A_241 = vector.load %arg2[%swap3A_239, %swap3A_240] : memref<512x5200xi32, #tpu.memory_space<vmem>>, vector<512x128xi32>
    tpu.vector_store %arg2[%swap3A_239, %swap3A_240], %convert_element_type3A_238 {strides = array<i32>} : memref<512x5200xi32, #tpu.memory_space<vmem>>, vector<512x128xi32>,
    %iota3A_242 = tpu.iota {dimensions = array<i32: 1>} : vector<512x128xi32>
    %add3A_243 = arith.constant 2304 : i32
    %add3A_244 = vector.broadcast %add3A_243 : i32 to vector<512x128xi32>
    %add3A_245 = arith.addi %add3A_244, %iota3A_242 : vector<512x128xi32>
    %slice3A_246 = vector.extract_strided_slice %add3A_4 {offsets = [0, 11], sizes = [512, 1], strides = [1, 1]} : vector<512x26xi32> to vector<512x1xi32>
    %eq3A_247 = vector.broadcast %slice3A_246 : vector<512x1xi32> to vector<512x128xi32>
    %eq3A_248 = arith.cmpi eq, %eq3A_247, %add3A_245 : vector<512x128xi32>
    %slice3A_249 = vector.extract_strided_slice %add3A_4 {offsets = [0, 12], sizes = [512, 1], strides = [1, 1]} : vector<512x26xi32> to vector<512x1xi32>
    %eq3A_250 = vector.broadcast %slice3A_249 : vector<512x1xi32> to vector<512x128xi32>
    %eq3A_251 = arith.cmpi eq, %eq3A_250, %add3A_245 : vector<512x128xi32>
    %or3A_252 = arith.ori %eq3A_248, %eq3A_251 : vector<512x128xi1>
    %convert_element_type3A_253 = arith.extui %or3A_252 : vector<512x128xi1> to vector<512x128xi32>
    %swap3A_254 = arith.constant 0 : index
    %swap3A_255 = arith.constant 2304 : index
    %swap3A_256 = vector.load %arg2[%swap3A_254, %swap3A_255] : memref<512x5200xi32, #tpu.memory_space<vmem>>, vector<512x128xi32>
    tpu.vector_store %arg2[%swap3A_254, %swap3A_255], %convert_element_type3A_253 {strides = array<i32>} : memref<512x5200xi32, #tpu.memory_space<vmem>>, vector<512x128xi32>,
    %iota3A_257 = tpu.iota {dimensions = array<i32: 1>} : vector<512x128xi32>
    %add3A_258 = arith.constant 2432 : i32
    %add3A_259 = vector.broadcast %add3A_258 : i32 to vector<512x128xi32>
    %add3A_260 = arith.addi %add3A_259, %iota3A_257 : vector<512x128xi32>
    %slice3A_261 = vector.extract_strided_slice %add3A_4 {offsets = [0, 12], sizes = [512, 1], strides = [1, 1]} : vector<512x26xi32> to vector<512x1xi32>
    %eq3A_262 = vector.broadcast %slice3A_261 : vector<512x1xi32> to vector<512x128xi32>
    %eq3A_263 = arith.cmpi eq, %eq3A_262, %add3A_260 : vector<512x128xi32>
    %convert_element_type3A_264 = arith.extui %eq3A_263 : vector<512x128xi1> to vector<512x128xi32>
    %swap3A_265 = arith.constant 0 : index
    %swap3A_266 = arith.constant 2432 : index
    %swap3A_267 = vector.load %arg2[%swap3A_265, %swap3A_266] : memref<512x5200xi32, #tpu.memory_space<vmem>>, vector<512x128xi32>
    tpu.vector_store %arg2[%swap3A_265, %swap3A_266], %convert_element_type3A_264 {strides = array<i32>} : memref<512x5200xi32, #tpu.memory_space<vmem>>, vector<512x128xi32>,
    %iota3A_268 = tpu.iota {dimensions = array<i32: 1>} : vector<512x128xi32>
    %add3A_269 = arith.constant 2560 : i32
    %add3A_270 = vector.broadcast %add3A_269 : i32 to vector<512x128xi32>
    %add3A_271 = arith.addi %add3A_270, %iota3A_268 : vector<512x128xi32>
    %slice3A_272 = vector.extract_strided_slice %add3A_4 {offsets = [0, 12], sizes = [512, 1], strides = [1, 1]} : vector<512x26xi32> to vector<512x1xi32>
    %eq3A_273 = vector.broadcast %slice3A_272 : vector<512x1xi32> to vector<512x128xi32>
    %eq3A_274 = arith.cmpi eq, %eq3A_273, %add3A_271 : vector<512x128xi32>
    %slice3A_275 = vector.extract_strided_slice %add3A_4 {offsets = [0, 13], sizes = [512, 1], strides = [1, 1]} : vector<512x26xi32> to vector<512x1xi32>
    %eq3A_276 = vector.broadcast %slice3A_275 : vector<512x1xi32> to vector<512x128xi32>
    %eq3A_277 = arith.cmpi eq, %eq3A_276, %add3A_271 : vector<512x128xi32>
    %or3A_278 = arith.ori %eq3A_274, %eq3A_277 : vector<512x128xi1>
    %convert_element_type3A_279 = arith.extui %or3A_278 : vector<512x128xi1> to vector<512x128xi32>
    %swap3A_280 = arith.constant 0 : index
    %swap3A_281 = arith.constant 2560 : index
    %swap3A_282 = vector.load %arg2[%swap3A_280, %swap3A_281] : memref<512x5200xi32, #tpu.memory_space<vmem>>, vector<512x128xi32>
    tpu.vector_store %arg2[%swap3A_280, %swap3A_281], %convert_element_type3A_279 {strides = array<i32>} : memref<512x5200xi32, #tpu.memory_space<vmem>>, vector<512x128xi32>,
    %iota3A_283 = tpu.iota {dimensions = array<i32: 1>} : vector<512x128xi32>
    %add3A_284 = arith.constant 2688 : i32
    %add3A_285 = vector.broadcast %add3A_284 : i32 to vector<512x128xi32>
    %add3A_286 = arith.addi %add3A_285, %iota3A_283 : vector<512x128xi32>
    %slice3A_287 = vector.extract_strided_slice %add3A_4 {offsets = [0, 13], sizes = [512, 1], strides = [1, 1]} : vector<512x26xi32> to vector<512x1xi32>
    %eq3A_288 = vector.broadcast %slice3A_287 : vector<512x1xi32> to vector<512x128xi32>
    %eq3A_289 = arith.cmpi eq, %eq3A_288, %add3A_286 : vector<512x128xi32>
    %slice3A_290 = vector.extract_strided_slice %add3A_4 {offsets = [0, 14], sizes = [512, 1], strides = [1, 1]} : vector<512x26xi32> to vector<512x1xi32>
    %eq3A_291 = vector.broadcast %slice3A_290 : vector<512x1xi32> to vector<512x128xi32>
    %eq3A_292 = arith.cmpi eq, %eq3A_291, %add3A_286 : vector<512x128xi32>
    %or3A_293 = arith.ori %eq3A_289, %eq3A_292 : vector<512x128xi1>
    %convert_element_type3A_294 = arith.extui %or3A_293 : vector<512x128xi1> to vector<512x128xi32>
    %swap3A_295 = arith.constant 0 : index
    %swap3A_296 = arith.constant 2688 : index
    %swap3A_297 = vector.load %arg2[%swap3A_295, %swap3A_296] : memref<512x5200xi32, #tpu.memory_space<vmem>>, vector<512x128xi32>
    tpu.vector_store %arg2[%swap3A_295, %swap3A_296], %convert_element_type3A_294 {strides = array<i32>} : memref<512x5200xi32, #tpu.memory_space<vmem>>, vector<512x128xi32>,
    %iota3A_298 = tpu.iota {dimensions = array<i32: 1>} : vector<512x128xi32>
    %add3A_299 = arith.constant 2816 : i32
    %add3A_300 = vector.broadcast %add3A_299 : i32 to vector<512x128xi32>
    %add3A_301 = arith.addi %add3A_300, %iota3A_298 : vector<512x128xi32>
    %slice3A_302 = vector.extract_strided_slice %add3A_4 {offsets = [0, 14], sizes = [512, 1], strides = [1, 1]} : vector<512x26xi32> to vector<512x1xi32>
    %eq3A_303 = vector.broadcast %slice3A_302 : vector<512x1xi32> to vector<512x128xi32>
    %eq3A_304 = arith.cmpi eq, %eq3A_303, %add3A_301 : vector<512x128xi32>
    %convert_element_type3A_305 = arith.extui %eq3A_304 : vector<512x128xi1> to vector<512x128xi32>
    %swap3A_306 = arith.constant 0 : index
    %swap3A_307 = arith.constant 2816 : index
    %swap3A_308 = vector.load %arg2[%swap3A_306, %swap3A_307] : memref<512x5200xi32, #tpu.memory_space<vmem>>, vector<512x128xi32>
    tpu.vector_store %arg2[%swap3A_306, %swap3A_307], %convert_element_type3A_305 {strides = array<i32>} : memref<512x5200xi32, #tpu.memory_space<vmem>>, vector<512x128xi32>,
    %iota3A_309 = tpu.iota {dimensions = array<i32: 1>} : vector<512x128xi32>
    %add3A_310 = arith.constant 2944 : i32
    %add3A_311 = vector.broadcast %add3A_310 : i32 to vector<512x128xi32>
    %add3A_312 = arith.addi %add3A_311, %iota3A_309 : vector<512x128xi32>
    %slice3A_313 = vector.extract_strided_slice %add3A_4 {offsets = [0, 14], sizes = [512, 1], strides = [1, 1]} : vector<512x26xi32> to vector<512x1xi32>
    %eq3A_314 = vector.broadcast %slice3A_313 : vector<512x1xi32> to vector<512x128xi32>
    %eq3A_315 = arith.cmpi eq, %eq3A_314, %add3A_312 : vector<512x128xi32>
    %slice3A_316 = vector.extract_strided_slice %add3A_4 {offsets = [0, 15], sizes = [512, 1], strides = [1, 1]} : vector<512x26xi32> to vector<512x1xi32>
    %eq3A_317 = vector.broadcast %slice3A_316 : vector<512x1xi32> to vector<512x128xi32>
    %eq3A_318 = arith.cmpi eq, %eq3A_317, %add3A_312 : vector<512x128xi32>
    %or3A_319 = arith.ori %eq3A_315, %eq3A_318 : vector<512x128xi1>
    %convert_element_type3A_320 = arith.extui %or3A_319 : vector<512x128xi1> to vector<512x128xi32>
    %swap3A_321 = arith.constant 0 : index
    %swap3A_322 = arith.constant 2944 : index
    %swap3A_323 = vector.load %arg2[%swap3A_321, %swap3A_322] : memref<512x5200xi32, #tpu.memory_space<vmem>>, vector<512x128xi32>
    tpu.vector_store %arg2[%swap3A_321, %swap3A_322], %convert_element_type3A_320 {strides = array<i32>} : memref<512x5200xi32, #tpu.memory_space<vmem>>, vector<512x128xi32>,
    %iota3A_324 = tpu.iota {dimensions = array<i32: 1>} : vector<512x128xi32>
    %add3A_325 = arith.constant 3072 : i32
    %add3A_326 = vector.broadcast %add3A_325 : i32 to vector<512x128xi32>
    %add3A_327 = arith.addi %add3A_326, %iota3A_324 : vector<512x128xi32>
    %slice3A_328 = vector.extract_strided_slice %add3A_4 {offsets = [0, 15], sizes = [512, 1], strides = [1, 1]} : vector<512x26xi32> to vector<512x1xi32>
    %eq3A_329 = vector.broadcast %slice3A_328 : vector<512x1xi32> to vector<512x128xi32>
    %eq3A_330 = arith.cmpi eq, %eq3A_329, %add3A_327 : vector<512x128xi32>
    %convert_element_type3A_331 = arith.extui %eq3A_330 : vector<512x128xi1> to vector<512x128xi32>
    %swap3A_332 = arith.constant 0 : index
    %swap3A_333 = arith.constant 3072 : index
    %swap3A_334 = vector.load %arg2[%swap3A_332, %swap3A_333] : memref<512x5200xi32, #tpu.memory_space<vmem>>, vector<512x128xi32>
    tpu.vector_store %arg2[%swap3A_332, %swap3A_333], %convert_element_type3A_331 {strides = array<i32>} : memref<512x5200xi32, #tpu.memory_space<vmem>>, vector<512x128xi32>,
    %iota3A_335 = tpu.iota {dimensions = array<i32: 1>} : vector<512x128xi32>
    %add3A_336 = arith.constant 3200 : i32
    %add3A_337 = vector.broadcast %add3A_336 : i32 to vector<512x128xi32>
    %add3A_338 = arith.addi %add3A_337, %iota3A_335 : vector<512x128xi32>
    %slice3A_339 = vector.extract_strided_slice %add3A_4 {offsets = [0, 16], sizes = [512, 1], strides = [1, 1]} : vector<512x26xi32> to vector<512x1xi32>
    %eq3A_340 = vector.broadcast %slice3A_339 : vector<512x1xi32> to vector<512x128xi32>
    %eq3A_341 = arith.cmpi eq, %eq3A_340, %add3A_338 : vector<512x128xi32>
    %convert_element_type3A_342 = arith.extui %eq3A_341 : vector<512x128xi1> to vector<512x128xi32>
    %swap3A_343 = arith.constant 0 : index
    %swap3A_344 = arith.constant 3200 : index
    %swap3A_345 = vector.load %arg2[%swap3A_343, %swap3A_344] : memref<512x5200xi32, #tpu.memory_space<vmem>>, vector<512x128xi32>
    tpu.vector_store %arg2[%swap3A_343, %swap3A_344], %convert_element_type3A_342 {strides = array<i32>} : memref<512x5200xi32, #tpu.memory_space<vmem>>, vector<512x128xi32>,
    %iota3A_346 = tpu.iota {dimensions = array<i32: 1>} : vector<512x128xi32>
    %add3A_347 = arith.constant 3328 : i32
    %add3A_348 = vector.broadcast %add3A_347 : i32 to vector<512x128xi32>
    %add3A_349 = arith.addi %add3A_348, %iota3A_346 : vector<512x128xi32>
    %slice3A_350 = vector.extract_strided_slice %add3A_4 {offsets = [0, 16], sizes = [512, 1], strides = [1, 1]} : vector<512x26xi32> to vector<512x1xi32>
    %eq3A_351 = vector.broadcast %slice3A_350 : vector<512x1xi32> to vector<512x128xi32>
    %eq3A_352 = arith.cmpi eq, %eq3A_351, %add3A_349 : vector<512x128xi32>
    %slice3A_353 = vector.extract_strided_slice %add3A_4 {offsets = [0, 17], sizes = [512, 1], strides = [1, 1]} : vector<512x26xi32> to vector<512x1xi32>
    %eq3A_354 = vector.broadcast %slice3A_353 : vector<512x1xi32> to vector<512x128xi32>
    %eq3A_355 = arith.cmpi eq, %eq3A_354, %add3A_349 : vector<512x128xi32>
    %or3A_356 = arith.ori %eq3A_352, %eq3A_355 : vector<512x128xi1>
    %convert_element_type3A_357 = arith.extui %or3A_356 : vector<512x128xi1> to vector<512x128xi32>
    %swap3A_358 = arith.constant 0 : index
    %swap3A_359 = arith.constant 3328 : index
    %swap3A_360 = vector.load %arg2[%swap3A_358, %swap3A_359] : memref<512x5200xi32, #tpu.memory_space<vmem>>, vector<512x128xi32>
    tpu.vector_store %arg2[%swap3A_358, %swap3A_359], %convert_element_type3A_357 {strides = array<i32>} : memref<512x5200xi32, #tpu.memory_space<vmem>>, vector<512x128xi32>,
    %iota3A_361 = tpu.iota {dimensions = array<i32: 1>} : vector<512x128xi32>
    %add3A_362 = arith.constant 3456 : i32
    %add3A_363 = vector.broadcast %add3A_362 : i32 to vector<512x128xi32>
    %add3A_364 = arith.addi %add3A_363, %iota3A_361 : vector<512x128xi32>
    %slice3A_365 = vector.extract_strided_slice %add3A_4 {offsets = [0, 17], sizes = [512, 1], strides = [1, 1]} : vector<512x26xi32> to vector<512x1xi32>
    %eq3A_366 = vector.broadcast %slice3A_365 : vector<512x1xi32> to vector<512x128xi32>
    %eq3A_367 = arith.cmpi eq, %eq3A_366, %add3A_364 : vector<512x128xi32>
    %convert_element_type3A_368 = arith.extui %eq3A_367 : vector<512x128xi1> to vector<512x128xi32>
    %swap3A_369 = arith.constant 0 : index
    %swap3A_370 = arith.constant 3456 : index
    %swap3A_371 = vector.load %arg2[%swap3A_369, %swap3A_370] : memref<512x5200xi32, #tpu.memory_space<vmem>>, vector<512x128xi32>
    tpu.vector_store %arg2[%swap3A_369, %swap3A_370], %convert_element_type3A_368 {strides = array<i32>} : memref<512x5200xi32, #tpu.memory_space<vmem>>, vector<512x128xi32>,
    %iota3A_372 = tpu.iota {dimensions = array<i32: 1>} : vector<512x128xi32>
    %add3A_373 = arith.constant 3584 : i32
    %add3A_374 = vector.broadcast %add3A_373 : i32 to vector<512x128xi32>
    %add3A_375 = arith.addi %add3A_374, %iota3A_372 : vector<512x128xi32>
    %slice3A_376 = vector.extract_strided_slice %add3A_4 {offsets = [0, 17], sizes = [512, 1], strides = [1, 1]} : vector<512x26xi32> to vector<512x1xi32>
    %eq3A_377 = vector.broadcast %slice3A_376 : vector<512x1xi32> to vector<512x128xi32>
    %eq3A_378 = arith.cmpi eq, %eq3A_377, %add3A_375 : vector<512x128xi32>
    %slice3A_379 = vector.extract_strided_slice %add3A_4 {offsets = [0, 18], sizes = [512, 1], strides = [1, 1]} : vector<512x26xi32> to vector<512x1xi32>
    %eq3A_380 = vector.broadcast %slice3A_379 : vector<512x1xi32> to vector<512x128xi32>
    %eq3A_381 = arith.cmpi eq, %eq3A_380, %add3A_375 : vector<512x128xi32>
    %or3A_382 = arith.ori %eq3A_378, %eq3A_381 : vector<512x128xi1>
    %convert_element_type3A_383 = arith.extui %or3A_382 : vector<512x128xi1> to vector<512x128xi32>
    %swap3A_384 = arith.constant 0 : index
    %swap3A_385 = arith.constant 3584 : index
    %swap3A_386 = vector.load %arg2[%swap3A_384, %swap3A_385] : memref<512x5200xi32, #tpu.memory_space<vmem>>, vector<512x128xi32>
    tpu.vector_store %arg2[%swap3A_384, %swap3A_385], %convert_element_type3A_383 {strides = array<i32>} : memref<512x5200xi32, #tpu.memory_space<vmem>>, vector<512x128xi32>,
    %iota3A_387 = tpu.iota {dimensions = array<i32: 1>} : vector<512x128xi32>
    %add3A_388 = arith.constant 3712 : i32
    %add3A_389 = vector.broadcast %add3A_388 : i32 to vector<512x128xi32>
    %add3A_390 = arith.addi %add3A_389, %iota3A_387 : vector<512x128xi32>
    %slice3A_391 = vector.extract_strided_slice %add3A_4 {offsets = [0, 18], sizes = [512, 1], strides = [1, 1]} : vector<512x26xi32> to vector<512x1xi32>
    %eq3A_392 = vector.broadcast %slice3A_391 : vector<512x1xi32> to vector<512x128xi32>
    %eq3A_393 = arith.cmpi eq, %eq3A_392, %add3A_390 : vector<512x128xi32>
    %slice3A_394 = vector.extract_strided_slice %add3A_4 {offsets = [0, 19], sizes = [512, 1], strides = [1, 1]} : vector<512x26xi32> to vector<512x1xi32>
    %eq3A_395 = vector.broadcast %slice3A_394 : vector<512x1xi32> to vector<512x128xi32>
    %eq3A_396 = arith.cmpi eq, %eq3A_395, %add3A_390 : vector<512x128xi32>
    %or3A_397 = arith.ori %eq3A_393, %eq3A_396 : vector<512x128xi1>
    %convert_element_type3A_398 = arith.extui %or3A_397 : vector<512x128xi1> to vector<512x128xi32>
    %swap3A_399 = arith.constant 0 : index
    %swap3A_400 = arith.constant 3712 : index
    %swap3A_401 = vector.load %arg2[%swap3A_399, %swap3A_400] : memref<512x5200xi32, #tpu.memory_space<vmem>>, vector<512x128xi32>
    tpu.vector_store %arg2[%swap3A_399, %swap3A_400], %convert_element_type3A_398 {strides = array<i32>} : memref<512x5200xi32, #tpu.memory_space<vmem>>, vector<512x128xi32>,
    %iota3A_402 = tpu.iota {dimensions = array<i32: 1>} : vector<512x128xi32>
    %add3A_403 = arith.constant 3840 : i32
    %add3A_404 = vector.broadcast %add3A_403 : i32 to vector<512x128xi32>
    %add3A_405 = arith.addi %add3A_404, %iota3A_402 : vector<512x128xi32>
    %slice3A_406 = vector.extract_strided_slice %add3A_4 {offsets = [0, 19], sizes = [512, 1], strides = [1, 1]} : vector<512x26xi32> to vector<512x1xi32>
    %eq3A_407 = vector.broadcast %slice3A_406 : vector<512x1xi32> to vector<512x128xi32>
    %eq3A_408 = arith.cmpi eq, %eq3A_407, %add3A_405 : vector<512x128xi32>
    %convert_element_type3A_409 = arith.extui %eq3A_408 : vector<512x128xi1> to vector<512x128xi32>
    %swap3A_410 = arith.constant 0 : index
    %swap3A_411 = arith.constant 3840 : index
    %swap3A_412 = vector.load %arg2[%swap3A_410, %swap3A_411] : memref<512x5200xi32, #tpu.memory_space<vmem>>, vector<512x128xi32>
    tpu.vector_store %arg2[%swap3A_410, %swap3A_411], %convert_element_type3A_409 {strides = array<i32>} : memref<512x5200xi32, #tpu.memory_space<vmem>>, vector<512x128xi32>,
    %iota3A_413 = tpu.iota {dimensions = array<i32: 1>} : vector<512x128xi32>
    %add3A_414 = arith.constant 3968 : i32
    %add3A_415 = vector.broadcast %add3A_414 : i32 to vector<512x128xi32>
    %add3A_416 = arith.addi %add3A_415, %iota3A_413 : vector<512x128xi32>
    %slice3A_417 = vector.extract_strided_slice %add3A_4 {offsets = [0, 19], sizes = [512, 1], strides = [1, 1]} : vector<512x26xi32> to vector<512x1xi32>
    %eq3A_418 = vector.broadcast %slice3A_417 : vector<512x1xi32> to vector<512x128xi32>
    %eq3A_419 = arith.cmpi eq, %eq3A_418, %add3A_416 : vector<512x128xi32>
    %slice3A_420 = vector.extract_strided_slice %add3A_4 {offsets = [0, 20], sizes = [512, 1], strides = [1, 1]} : vector<512x26xi32> to vector<512x1xi32>
    %eq3A_421 = vector.broadcast %slice3A_420 : vector<512x1xi32> to vector<512x128xi32>
    %eq3A_422 = arith.cmpi eq, %eq3A_421, %add3A_416 : vector<512x128xi32>
    %or3A_423 = arith.ori %eq3A_419, %eq3A_422 : vector<512x128xi1>
    %convert_element_type3A_424 = arith.extui %or3A_423 : vector<512x128xi1> to vector<512x128xi32>
    %swap3A_425 = arith.constant 0 : index
    %swap3A_426 = arith.constant 3968 : index
    %swap3A_427 = vector.load %arg2[%swap3A_425, %swap3A_426] : memref<512x5200xi32, #tpu.memory_space<vmem>>, vector<512x128xi32>
    tpu.vector_store %arg2[%swap3A_425, %swap3A_426], %convert_element_type3A_424 {strides = array<i32>} : memref<512x5200xi32, #tpu.memory_space<vmem>>, vector<512x128xi32>,
    %iota3A_428 = tpu.iota {dimensions = array<i32: 1>} : vector<512x128xi32>
    %add3A_429 = arith.constant 4096 : i32
    %add3A_430 = vector.broadcast %add3A_429 : i32 to vector<512x128xi32>
    %add3A_431 = arith.addi %add3A_430, %iota3A_428 : vector<512x128xi32>
    %slice3A_432 = vector.extract_strided_slice %add3A_4 {offsets = [0, 20], sizes = [512, 1], strides = [1, 1]} : vector<512x26xi32> to vector<512x1xi32>
    %eq3A_433 = vector.broadcast %slice3A_432 : vector<512x1xi32> to vector<512x128xi32>
    %eq3A_434 = arith.cmpi eq, %eq3A_433, %add3A_431 : vector<512x128xi32>
    %slice3A_435 = vector.extract_strided_slice %add3A_4 {offsets = [0, 21], sizes = [512, 1], strides = [1, 1]} : vector<512x26xi32> to vector<512x1xi32>
    %eq3A_436 = vector.broadcast %slice3A_435 : vector<512x1xi32> to vector<512x128xi32>
    %eq3A_437 = arith.cmpi eq, %eq3A_436, %add3A_431 : vector<512x128xi32>
    %or3A_438 = arith.ori %eq3A_434, %eq3A_437 : vector<512x128xi1>
    %convert_element_type3A_439 = arith.extui %or3A_438 : vector<512x128xi1> to vector<512x128xi32>
    %swap3A_440 = arith.constant 0 : index
    %swap3A_441 = arith.constant 4096 : index
    %swap3A_442 = vector.load %arg2[%swap3A_440, %swap3A_441] : memref<512x5200xi32, #tpu.memory_space<vmem>>, vector<512x128xi32>
    tpu.vector_store %arg2[%swap3A_440, %swap3A_441], %convert_element_type3A_439 {strides = array<i32>} : memref<512x5200xi32, #tpu.memory_space<vmem>>, vector<512x128xi32>,
    %iota3A_443 = tpu.iota {dimensions = array<i32: 1>} : vector<512x128xi32>
    %add3A_444 = arith.constant 4224 : i32
    %add3A_445 = vector.broadcast %add3A_444 : i32 to vector<512x128xi32>
    %add3A_446 = arith.addi %add3A_445, %iota3A_443 : vector<512x128xi32>
    %slice3A_447 = vector.extract_strided_slice %add3A_4 {offsets = [0, 21], sizes = [512, 1], strides = [1, 1]} : vector<512x26xi32> to vector<512x1xi32>
    %eq3A_448 = vector.broadcast %slice3A_447 : vector<512x1xi32> to vector<512x128xi32>
    %eq3A_449 = arith.cmpi eq, %eq3A_448, %add3A_446 : vector<512x128xi32>
    %convert_element_type3A_450 = arith.extui %eq3A_449 : vector<512x128xi1> to vector<512x128xi32>
    %swap3A_451 = arith.constant 0 : index
    %swap3A_452 = arith.constant 4224 : index
    %swap3A_453 = vector.load %arg2[%swap3A_451, %swap3A_452] : memref<512x5200xi32, #tpu.memory_space<vmem>>, vector<512x128xi32>
    tpu.vector_store %arg2[%swap3A_451, %swap3A_452], %convert_element_type3A_450 {strides = array<i32>} : memref<512x5200xi32, #tpu.memory_space<vmem>>, vector<512x128xi32>,
    %iota3A_454 = tpu.iota {dimensions = array<i32: 1>} : vector<512x128xi32>
    %add3A_455 = arith.constant 4352 : i32
    %add3A_456 = vector.broadcast %add3A_455 : i32 to vector<512x128xi32>
    %add3A_457 = arith.addi %add3A_456, %iota3A_454 : vector<512x128xi32>
    %slice3A_458 = vector.extract_strided_slice %add3A_4 {offsets = [0, 21], sizes = [512, 1], strides = [1, 1]} : vector<512x26xi32> to vector<512x1xi32>
    %eq3A_459 = vector.broadcast %slice3A_458 : vector<512x1xi32> to vector<512x128xi32>
    %eq3A_460 = arith.cmpi eq, %eq3A_459, %add3A_457 : vector<512x128xi32>
    %slice3A_461 = vector.extract_strided_slice %add3A_4 {offsets = [0, 22], sizes = [512, 1], strides = [1, 1]} : vector<512x26xi32> to vector<512x1xi32>
    %eq3A_462 = vector.broadcast %slice3A_461 : vector<512x1xi32> to vector<512x128xi32>
    %eq3A_463 = arith.cmpi eq, %eq3A_462, %add3A_457 : vector<512x128xi32>
    %or3A_464 = arith.ori %eq3A_460, %eq3A_463 : vector<512x128xi1>
    %convert_element_type3A_465 = arith.extui %or3A_464 : vector<512x128xi1> to vector<512x128xi32>
    %swap3A_466 = arith.constant 0 : index
    %swap3A_467 = arith.constant 4352 : index
    %swap3A_468 = vector.load %arg2[%swap3A_466, %swap3A_467] : memref<512x5200xi32, #tpu.memory_space<vmem>>, vector<512x128xi32>
    tpu.vector_store %arg2[%swap3A_466, %swap3A_467], %convert_element_type3A_465 {strides = array<i32>} : memref<512x5200xi32, #tpu.memory_space<vmem>>, vector<512x128xi32>,
    %iota3A_469 = tpu.iota {dimensions = array<i32: 1>} : vector<512x128xi32>
    %add3A_470 = arith.constant 4480 : i32
    %add3A_471 = vector.broadcast %add3A_470 : i32 to vector<512x128xi32>
    %add3A_472 = arith.addi %add3A_471, %iota3A_469 : vector<512x128xi32>
    %slice3A_473 = vector.extract_strided_slice %add3A_4 {offsets = [0, 22], sizes = [512, 1], strides = [1, 1]} : vector<512x26xi32> to vector<512x1xi32>
    %eq3A_474 = vector.broadcast %slice3A_473 : vector<512x1xi32> to vector<512x128xi32>
    %eq3A_475 = arith.cmpi eq, %eq3A_474, %add3A_472 : vector<512x128xi32>
    %slice3A_476 = vector.extract_strided_slice %add3A_4 {offsets = [0, 23], sizes = [512, 1], strides = [1, 1]} : vector<512x26xi32> to vector<512x1xi32>
    %eq3A_477 = vector.broadcast %slice3A_476 : vector<512x1xi32> to vector<512x128xi32>
    %eq3A_478 = arith.cmpi eq, %eq3A_477, %add3A_472 : vector<512x128xi32>
    %or3A_479 = arith.ori %eq3A_475, %eq3A_478 : vector<512x128xi1>
    %convert_element_type3A_480 = arith.extui %or3A_479 : vector<512x128xi1> to vector<512x128xi32>
    %swap3A_481 = arith.constant 0 : index
    %swap3A_482 = arith.constant 4480 : index
    %swap3A_483 = vector.load %arg2[%swap3A_481, %swap3A_482] : memref<512x5200xi32, #tpu.memory_space<vmem>>, vector<512x128xi32>
    tpu.vector_store %arg2[%swap3A_481, %swap3A_482], %convert_element_type3A_480 {strides = array<i32>} : memref<512x5200xi32, #tpu.memory_space<vmem>>, vector<512x128xi32>,
    %iota3A_484 = tpu.iota {dimensions = array<i32: 1>} : vector<512x128xi32>
    %add3A_485 = arith.constant 4608 : i32
    %add3A_486 = vector.broadcast %add3A_485 : i32 to vector<512x128xi32>
    %add3A_487 = arith.addi %add3A_486, %iota3A_484 : vector<512x128xi32>
    %slice3A_488 = vector.extract_strided_slice %add3A_4 {offsets = [0, 23], sizes = [512, 1], strides = [1, 1]} : vector<512x26xi32> to vector<512x1xi32>
    %eq3A_489 = vector.broadcast %slice3A_488 : vector<512x1xi32> to vector<512x128xi32>
    %eq3A_490 = arith.cmpi eq, %eq3A_489, %add3A_487 : vector<512x128xi32>
    %convert_element_type3A_491 = arith.extui %eq3A_490 : vector<512x128xi1> to vector<512x128xi32>
    %swap3A_492 = arith.constant 0 : index
    %swap3A_493 = arith.constant 4608 : index
    %swap3A_494 = vector.load %arg2[%swap3A_492, %swap3A_493] : memref<512x5200xi32, #tpu.memory_space<vmem>>, vector<512x128xi32>
    tpu.vector_store %arg2[%swap3A_492, %swap3A_493], %convert_element_type3A_491 {strides = array<i32>} : memref<512x5200xi32, #tpu.memory_space<vmem>>, vector<512x128xi32>,
    %iota3A_495 = tpu.iota {dimensions = array<i32: 1>} : vector<512x128xi32>
    %add3A_496 = arith.constant 4736 : i32
    %add3A_497 = vector.broadcast %add3A_496 : i32 to vector<512x128xi32>
    %add3A_498 = arith.addi %add3A_497, %iota3A_495 : vector<512x128xi32>
    %slice3A_499 = vector.extract_strided_slice %add3A_4 {offsets = [0, 23], sizes = [512, 1], strides = [1, 1]} : vector<512x26xi32> to vector<512x1xi32>
    %eq3A_500 = vector.broadcast %slice3A_499 : vector<512x1xi32> to vector<512x128xi32>
    %eq3A_501 = arith.cmpi eq, %eq3A_500, %add3A_498 : vector<512x128xi32>
    %slice3A_502 = vector.extract_strided_slice %add3A_4 {offsets = [0, 24], sizes = [512, 1], strides = [1, 1]} : vector<512x26xi32> to vector<512x1xi32>
    %eq3A_503 = vector.broadcast %slice3A_502 : vector<512x1xi32> to vector<512x128xi32>
    %eq3A_504 = arith.cmpi eq, %eq3A_503, %add3A_498 : vector<512x128xi32>
    %or3A_505 = arith.ori %eq3A_501, %eq3A_504 : vector<512x128xi1>
    %convert_element_type3A_506 = arith.extui %or3A_505 : vector<512x128xi1> to vector<512x128xi32>
    %swap3A_507 = arith.constant 0 : index
    %swap3A_508 = arith.constant 4736 : index
    %swap3A_509 = vector.load %arg2[%swap3A_507, %swap3A_508] : memref<512x5200xi32, #tpu.memory_space<vmem>>, vector<512x128xi32>
    tpu.vector_store %arg2[%swap3A_507, %swap3A_508], %convert_element_type3A_506 {strides = array<i32>} : memref<512x5200xi32, #tpu.memory_space<vmem>>, vector<512x128xi32>,
    %iota3A_510 = tpu.iota {dimensions = array<i32: 1>} : vector<512x128xi32>
    %add3A_511 = arith.constant 4864 : i32
    %add3A_512 = vector.broadcast %add3A_511 : i32 to vector<512x128xi32>
    %add3A_513 = arith.addi %add3A_512, %iota3A_510 : vector<512x128xi32>
    %slice3A_514 = vector.extract_strided_slice %add3A_4 {offsets = [0, 24], sizes = [512, 1], strides = [1, 1]} : vector<512x26xi32> to vector<512x1xi32>
    %eq3A_515 = vector.broadcast %slice3A_514 : vector<512x1xi32> to vector<512x128xi32>
    %eq3A_516 = arith.cmpi eq, %eq3A_515, %add3A_513 : vector<512x128xi32>
    %convert_element_type3A_517 = arith.extui %eq3A_516 : vector<512x128xi1> to vector<512x128xi32>
    %swap3A_518 = arith.constant 0 : index
    %swap3A_519 = arith.constant 4864 : index
    %swap3A_520 = vector.load %arg2[%swap3A_518, %swap3A_519] : memref<512x5200xi32, #tpu.memory_space<vmem>>, vector<512x128xi32>
    tpu.vector_store %arg2[%swap3A_518, %swap3A_519], %convert_element_type3A_517 {strides = array<i32>} : memref<512x5200xi32, #tpu.memory_space<vmem>>, vector<512x128xi32>,
    %iota3A_521 = tpu.iota {dimensions = array<i32: 1>} : vector<512x128xi32>
    %add3A_522 = arith.constant 4992 : i32
    %add3A_523 = vector.broadcast %add3A_522 : i32 to vector<512x128xi32>
    %add3A_524 = arith.addi %add3A_523, %iota3A_521 : vector<512x128xi32>
    %slice3A_525 = vector.extract_strided_slice %add3A_4 {offsets = [0, 24], sizes = [512, 1], strides = [1, 1]} : vector<512x26xi32> to vector<512x1xi32>
    %eq3A_526 = vector.broadcast %slice3A_525 : vector<512x1xi32> to vector<512x128xi32>
    %eq3A_527 = arith.cmpi eq, %eq3A_526, %add3A_524 : vector<512x128xi32>
    %slice3A_528 = vector.extract_strided_slice %add3A_4 {offsets = [0, 25], sizes = [512, 1], strides = [1, 1]} : vector<512x26xi32> to vector<512x1xi32>
    %eq3A_529 = vector.broadcast %slice3A_528 : vector<512x1xi32> to vector<512x128xi32>
    %eq3A_530 = arith.cmpi eq, %eq3A_529, %add3A_524 : vector<512x128xi32>
    %or3A_531 = arith.ori %eq3A_527, %eq3A_530 : vector<512x128xi1>
    %convert_element_type3A_532 = arith.extui %or3A_531 : vector<512x128xi1> to vector<512x128xi32>
    %swap3A_533 = arith.constant 0 : index
    %swap3A_534 = arith.constant 4992 : index
    %swap3A_535 = vector.load %arg2[%swap3A_533, %swap3A_534] : memref<512x5200xi32, #tpu.memory_space<vmem>>, vector<512x128xi32>
    tpu.vector_store %arg2[%swap3A_533, %swap3A_534], %convert_element_type3A_532 {strides = array<i32>} : memref<512x5200xi32, #tpu.memory_space<vmem>>, vector<512x128xi32>,
    %iota3A_536 = tpu.iota {dimensions = array<i32: 1>} : vector<512x80xi32>
    %add3A_537 = arith.constant 5120 : i32
    %add3A_538 = vector.broadcast %add3A_537 : i32 to vector<512x80xi32>
    %add3A_539 = arith.addi %add3A_538, %iota3A_536 : vector<512x80xi32>
    %slice3A_540 = vector.extract_strided_slice %add3A_4 {offsets = [0, 25], sizes = [512, 1], strides = [1, 1]} : vector<512x26xi32> to vector<512x1xi32>
    %eq3A_541 = vector.broadcast %slice3A_540 : vector<512x1xi32> to vector<512x80xi32>
    %eq3A_542 = arith.cmpi eq, %eq3A_541, %add3A_539 : vector<512x80xi32>
    %convert_element_type3A_543 = arith.extui %eq3A_542 : vector<512x80xi1> to vector<512x80xi32>
    %swap3A_544 = arith.constant 0 : index
    %swap3A_545 = arith.constant 5120 : index
    %swap3A_546 = vector.load %arg2[%swap3A_544, %swap3A_545] : memref<512x5200xi32, #tpu.memory_space<vmem>>, vector<512x80xi32>
    tpu.vector_store %arg2[%swap3A_544, %swap3A_545], %convert_element_type3A_543 {strides = array<i32>} : memref<512x5200xi32, #tpu.memory_space<vmem>>, vector<512x80xi32>,
    return
  }
  func.func @transform_0(%arg0: i32) -> (i32, i32) {
    %c0_i32 = arith.constant 0 : i32
    %c0_i32_0 = arith.constant 0 : i32
    return %arg0, %c0_i32 : i32, i32
  }
  func.func @transform_1(%arg0: i32) -> (i32, i32) {
    %c0_i32 = arith.constant 0 : i32
    %c0_i32_0 = arith.constant 0 : i32
    return %arg0, %c0_i32 : i32, i32
  }
}

module attributes {stable_mosaic.version = 14 : i64} {
  func.func @_body(%arg0: i32, %arg1: memref<512x26xi32, #tpu.memory_space<vmem>>, %arg2: memref<512x5200xi32, #tpu.memory_space<vmem>>) attributes {dimension_semantics = [#tpu.dimension_semantics<arbitrary>], iteration_bounds = array<i64: 5>, scalar_prefetch = 0 : i64, scratch_operands = 0 : i64, tpu.core_type = #tpu.core_type<tc>, window_params = [{transform_indices = @transform_0, window_bounds = array<i64: 512, 26>}, {transform_indices = @transform_1, window_bounds = array<i64: 512, 5200>}]} {
    %get3A = arith.constant 0 : index
    %get3A_0 = arith.constant 0 : index
    %get3A_1 = vector.load %arg1[%get3A, %get3A_0] : memref<512x26xi32, #tpu.memory_space<vmem>>, vector<512x26xi32>
    %iota3A = tpu.iota {dimensions = array<i32: 1>} : vector<1x26xi32>
    %mul3A = arith.constant 200 : i32
    %mul3A_2 = vector.broadcast %mul3A : i32 to vector<1x26xi32>
    %mul3A_3 = arith.muli %mul3A_2, %iota3A : vector<1x26xi32>
    %add3A = vector.broadcast %mul3A_3 : vector<1x26xi32> to vector<512x26xi32>
    %add3A_4 = arith.addi %get3A_1, %add3A : vector<512x26xi32>
    %iota3A_5 = tpu.iota {dimensions = array<i32: 1>} : vector<512x128xi32>
    %add3A_6 = arith.constant 0 : i32
    %add3A_7 = vector.broadcast %add3A_6 : i32 to vector<512x128xi32>
    %add3A_8 = arith.addi %add3A_7, %iota3A_5 : vector<512x128xi32>
    %slice3A = vector.extract_strided_slice %add3A_4 {offsets = [0, 0], sizes = [512, 1], strides = [1, 1]} : vector<512x26xi32> to vector<512x1xi32>
    %eq3A = vector.broadcast %slice3A : vector<512x1xi32> to vector<512x128xi32>
    %eq3A_9 = arith.cmpi eq, %eq3A, %add3A_8 : vector<512x128xi32>
    %swap3A = arith.constant 0 : index
    %swap3A_10 = arith.constant 0 : index
    %swap3A_11 = vector.load %arg2[%swap3A, %swap3A_10] : memref<512x5200xi32, #tpu.memory_space<vmem>>, vector<512x128xi32>
    %swap3A_12 = arith.extui %eq3A_9 : vector<512x128xi1> to vector<512x128xi32>
    %swap3A_13 = arith.constant dense<0> : vector<512x128xi32>
    %swap3A_14 = arith.cmpi ne, %swap3A_11, %swap3A_13 : vector<512x128xi32>
    tpu.vector_store %arg2[%swap3A, %swap3A_10], %swap3A_12 {strides = array<i32>} : memref<512x5200xi32, #tpu.memory_space<vmem>>, vector<512x128xi32>,
    %iota3A_15 = tpu.iota {dimensions = array<i32: 1>} : vector<512x128xi32>
    %add3A_16 = arith.constant 128 : i32
    %add3A_17 = vector.broadcast %add3A_16 : i32 to vector<512x128xi32>
    %add3A_18 = arith.addi %add3A_17, %iota3A_15 : vector<512x128xi32>
    %slice3A_19 = vector.extract_strided_slice %add3A_4 {offsets = [0, 0], sizes = [512, 1], strides = [1, 1]} : vector<512x26xi32> to vector<512x1xi32>
    %eq3A_20 = vector.broadcast %slice3A_19 : vector<512x1xi32> to vector<512x128xi32>
    %eq3A_21 = arith.cmpi eq, %eq3A_20, %add3A_18 : vector<512x128xi32>
    %slice3A_22 = vector.extract_strided_slice %add3A_4 {offsets = [0, 1], sizes = [512, 1], strides = [1, 1]} : vector<512x26xi32> to vector<512x1xi32>
    %eq3A_23 = vector.broadcast %slice3A_22 : vector<512x1xi32> to vector<512x128xi32>
    %eq3A_24 = arith.cmpi eq, %eq3A_23, %add3A_18 : vector<512x128xi32>
    %or3A = arith.ori %eq3A_21, %eq3A_24 : vector<512x128xi1>
    %swap3A_25 = arith.constant 0 : index
    %swap3A_26 = arith.constant 128 : index
    %swap3A_27 = vector.load %arg2[%swap3A_25, %swap3A_26] : memref<512x5200xi32, #tpu.memory_space<vmem>>, vector<512x128xi32>
    %swap3A_28 = arith.extui %or3A : vector<512x128xi1> to vector<512x128xi32>
    %swap3A_29 = arith.constant dense<0> : vector<512x128xi32>
    %swap3A_30 = arith.cmpi ne, %swap3A_27, %swap3A_29 : vector<512x128xi32>
    tpu.vector_store %arg2[%swap3A_25, %swap3A_26], %swap3A_28 {strides = array<i32>} : memref<512x5200xi32, #tpu.memory_space<vmem>>, vector<512x128xi32>,
    %iota3A_31 = tpu.iota {dimensions = array<i32: 1>} : vector<512x128xi32>
    %add3A_32 = arith.constant 256 : i32
    %add3A_33 = vector.broadcast %add3A_32 : i32 to vector<512x128xi32>
    %add3A_34 = arith.addi %add3A_33, %iota3A_31 : vector<512x128xi32>
    %slice3A_35 = vector.extract_strided_slice %add3A_4 {offsets = [0, 1], sizes = [512, 1], strides = [1, 1]} : vector<512x26xi32> to vector<512x1xi32>
    %eq3A_36 = vector.broadcast %slice3A_35 : vector<512x1xi32> to vector<512x128xi32>
    %eq3A_37 = arith.cmpi eq, %eq3A_36, %add3A_34 : vector<512x128xi32>
    %swap3A_38 = arith.constant 0 : index
    %swap3A_39 = arith.constant 256 : index
    %swap3A_40 = vector.load %arg2[%swap3A_38, %swap3A_39] : memref<512x5200xi32, #tpu.memory_space<vmem>>, vector<512x128xi32>
    %swap3A_41 = arith.extui %eq3A_37 : vector<512x128xi1> to vector<512x128xi32>
    %swap3A_42 = arith.constant dense<0> : vector<512x128xi32>
    %swap3A_43 = arith.cmpi ne, %swap3A_40, %swap3A_42 : vector<512x128xi32>
    tpu.vector_store %arg2[%swap3A_38, %swap3A_39], %swap3A_41 {strides = array<i32>} : memref<512x5200xi32, #tpu.memory_space<vmem>>, vector<512x128xi32>,
    %iota3A_44 = tpu.iota {dimensions = array<i32: 1>} : vector<512x128xi32>
    %add3A_45 = arith.constant 384 : i32
    %add3A_46 = vector.broadcast %add3A_45 : i32 to vector<512x128xi32>
    %add3A_47 = arith.addi %add3A_46, %iota3A_44 : vector<512x128xi32>
    %slice3A_48 = vector.extract_strided_slice %add3A_4 {offsets = [0, 1], sizes = [512, 1], strides = [1, 1]} : vector<512x26xi32> to vector<512x1xi32>
    %eq3A_49 = vector.broadcast %slice3A_48 : vector<512x1xi32> to vector<512x128xi32>
    %eq3A_50 = arith.cmpi eq, %eq3A_49, %add3A_47 : vector<512x128xi32>
    %slice3A_51 = vector.extract_strided_slice %add3A_4 {offsets = [0, 2], sizes = [512, 1], strides = [1, 1]} : vector<512x26xi32> to vector<512x1xi32>
    %eq3A_52 = vector.broadcast %slice3A_51 : vector<512x1xi32> to vector<512x128xi32>
    %eq3A_53 = arith.cmpi eq, %eq3A_52, %add3A_47 : vector<512x128xi32>
    %or3A_54 = arith.ori %eq3A_50, %eq3A_53 : vector<512x128xi1>
    %swap3A_55 = arith.constant 0 : index
    %swap3A_56 = arith.constant 384 : index
    %swap3A_57 = vector.load %arg2[%swap3A_55, %swap3A_56] : memref<512x5200xi32, #tpu.memory_space<vmem>>, vector<512x128xi32>
    %swap3A_58 = arith.extui %or3A_54 : vector<512x128xi1> to vector<512x128xi32>
    %swap3A_59 = arith.constant dense<0> : vector<512x128xi32>
    %swap3A_60 = arith.cmpi ne, %swap3A_57, %swap3A_59 : vector<512x128xi32>
    tpu.vector_store %arg2[%swap3A_55, %swap3A_56], %swap3A_58 {strides = array<i32>} : memref<512x5200xi32, #tpu.memory_space<vmem>>, vector<512x128xi32>,
    %iota3A_61 = tpu.iota {dimensions = array<i32: 1>} : vector<512x128xi32>
    %add3A_62 = arith.constant 512 : i32
    %add3A_63 = vector.broadcast %add3A_62 : i32 to vector<512x128xi32>
    %add3A_64 = arith.addi %add3A_63, %iota3A_61 : vector<512x128xi32>
    %slice3A_65 = vector.extract_strided_slice %add3A_4 {offsets = [0, 2], sizes = [512, 1], strides = [1, 1]} : vector<512x26xi32> to vector<512x1xi32>
    %eq3A_66 = vector.broadcast %slice3A_65 : vector<512x1xi32> to vector<512x128xi32>
    %eq3A_67 = arith.cmpi eq, %eq3A_66, %add3A_64 : vector<512x128xi32>
    %slice3A_68 = vector.extract_strided_slice %add3A_4 {offsets = [0, 3], sizes = [512, 1], strides = [1, 1]} : vector<512x26xi32> to vector<512x1xi32>
    %eq3A_69 = vector.broadcast %slice3A_68 : vector<512x1xi32> to vector<512x128xi32>
    %eq3A_70 = arith.cmpi eq, %eq3A_69, %add3A_64 : vector<512x128xi32>
    %or3A_71 = arith.ori %eq3A_67, %eq3A_70 : vector<512x128xi1>
    %swap3A_72 = arith.constant 0 : index
    %swap3A_73 = arith.constant 512 : index
    %swap3A_74 = vector.load %arg2[%swap3A_72, %swap3A_73] : memref<512x5200xi32, #tpu.memory_space<vmem>>, vector<512x128xi32>
    %swap3A_75 = arith.extui %or3A_71 : vector<512x128xi1> to vector<512x128xi32>
    %swap3A_76 = arith.constant dense<0> : vector<512x128xi32>
    %swap3A_77 = arith.cmpi ne, %swap3A_74, %swap3A_76 : vector<512x128xi32>
    tpu.vector_store %arg2[%swap3A_72, %swap3A_73], %swap3A_75 {strides = array<i32>} : memref<512x5200xi32, #tpu.memory_space<vmem>>, vector<512x128xi32>,
    %iota3A_78 = tpu.iota {dimensions = array<i32: 1>} : vector<512x128xi32>
    %add3A_79 = arith.constant 640 : i32
    %add3A_80 = vector.broadcast %add3A_79 : i32 to vector<512x128xi32>
    %add3A_81 = arith.addi %add3A_80, %iota3A_78 : vector<512x128xi32>
    %slice3A_82 = vector.extract_strided_slice %add3A_4 {offsets = [0, 3], sizes = [512, 1], strides = [1, 1]} : vector<512x26xi32> to vector<512x1xi32>
    %eq3A_83 = vector.broadcast %slice3A_82 : vector<512x1xi32> to vector<512x128xi32>
    %eq3A_84 = arith.cmpi eq, %eq3A_83, %add3A_81 : vector<512x128xi32>
    %swap3A_85 = arith.constant 0 : index
    %swap3A_86 = arith.constant 640 : index
    %swap3A_87 = vector.load %arg2[%swap3A_85, %swap3A_86] : memref<512x5200xi32, #tpu.memory_space<vmem>>, vector<512x128xi32>
    %swap3A_88 = arith.extui %eq3A_84 : vector<512x128xi1> to vector<512x128xi32>
    %swap3A_89 = arith.constant dense<0> : vector<512x128xi32>
    %swap3A_90 = arith.cmpi ne, %swap3A_87, %swap3A_89 : vector<512x128xi32>
    tpu.vector_store %arg2[%swap3A_85, %swap3A_86], %swap3A_88 {strides = array<i32>} : memref<512x5200xi32, #tpu.memory_space<vmem>>, vector<512x128xi32>,
    %iota3A_91 = tpu.iota {dimensions = array<i32: 1>} : vector<512x128xi32>
    %add3A_92 = arith.constant 768 : i32
    %add3A_93 = vector.broadcast %add3A_92 : i32 to vector<512x128xi32>
    %add3A_94 = arith.addi %add3A_93, %iota3A_91 : vector<512x128xi32>
    %slice3A_95 = vector.extract_strided_slice %add3A_4 {offsets = [0, 3], sizes = [512, 1], strides = [1, 1]} : vector<512x26xi32> to vector<512x1xi32>
    %eq3A_96 = vector.broadcast %slice3A_95 : vector<512x1xi32> to vector<512x128xi32>
    %eq3A_97 = arith.cmpi eq, %eq3A_96, %add3A_94 : vector<512x128xi32>
    %slice3A_98 = vector.extract_strided_slice %add3A_4 {offsets = [0, 4], sizes = [512, 1], strides = [1, 1]} : vector<512x26xi32> to vector<512x1xi32>
    %eq3A_99 = vector.broadcast %slice3A_98 : vector<512x1xi32> to vector<512x128xi32>
    %eq3A_100 = arith.cmpi eq, %eq3A_99, %add3A_94 : vector<512x128xi32>
    %or3A_101 = arith.ori %eq3A_97, %eq3A_100 : vector<512x128xi1>
    %swap3A_102 = arith.constant 0 : index
    %swap3A_103 = arith.constant 768 : index
    %swap3A_104 = vector.load %arg2[%swap3A_102, %swap3A_103] : memref<512x5200xi32, #tpu.memory_space<vmem>>, vector<512x128xi32>
    %swap3A_105 = arith.extui %or3A_101 : vector<512x128xi1> to vector<512x128xi32>
    %swap3A_106 = arith.constant dense<0> : vector<512x128xi32>
    %swap3A_107 = arith.cmpi ne, %swap3A_104, %swap3A_106 : vector<512x128xi32>
    tpu.vector_store %arg2[%swap3A_102, %swap3A_103], %swap3A_105 {strides = array<i32>} : memref<512x5200xi32, #tpu.memory_space<vmem>>, vector<512x128xi32>,
    %iota3A_108 = tpu.iota {dimensions = array<i32: 1>} : vector<512x128xi32>
    %add3A_109 = arith.constant 896 : i32
    %add3A_110 = vector.broadcast %add3A_109 : i32 to vector<512x128xi32>
    %add3A_111 = arith.addi %add3A_110, %iota3A_108 : vector<512x128xi32>
    %slice3A_112 = vector.extract_strided_slice %add3A_4 {offsets = [0, 4], sizes = [512, 1], strides = [1, 1]} : vector<512x26xi32> to vector<512x1xi32>
    %eq3A_113 = vector.broadcast %slice3A_112 : vector<512x1xi32> to vector<512x128xi32>
    %eq3A_114 = arith.cmpi eq, %eq3A_113, %add3A_111 : vector<512x128xi32>
    %slice3A_115 = vector.extract_strided_slice %add3A_4 {offsets = [0, 5], sizes = [512, 1], strides = [1, 1]} : vector<512x26xi32> to vector<512x1xi32>
    %eq3A_116 = vector.broadcast %slice3A_115 : vector<512x1xi32> to vector<512x128xi32>
    %eq3A_117 = arith.cmpi eq, %eq3A_116, %add3A_111 : vector<512x128xi32>
    %or3A_118 = arith.ori %eq3A_114, %eq3A_117 : vector<512x128xi1>
    %swap3A_119 = arith.constant 0 : index
    %swap3A_120 = arith.constant 896 : index
    %swap3A_121 = vector.load %arg2[%swap3A_119, %swap3A_120] : memref<512x5200xi32, #tpu.memory_space<vmem>>, vector<512x128xi32>
    %swap3A_122 = arith.extui %or3A_118 : vector<512x128xi1> to vector<512x128xi32>
    %swap3A_123 = arith.constant dense<0> : vector<512x128xi32>
    %swap3A_124 = arith.cmpi ne, %swap3A_121, %swap3A_123 : vector<512x128xi32>
    tpu.vector_store %arg2[%swap3A_119, %swap3A_120], %swap3A_122 {strides = array<i32>} : memref<512x5200xi32, #tpu.memory_space<vmem>>, vector<512x128xi32>,
    %iota3A_125 = tpu.iota {dimensions = array<i32: 1>} : vector<512x128xi32>
    %add3A_126 = arith.constant 1024 : i32
    %add3A_127 = vector.broadcast %add3A_126 : i32 to vector<512x128xi32>
    %add3A_128 = arith.addi %add3A_127, %iota3A_125 : vector<512x128xi32>
    %slice3A_129 = vector.extract_strided_slice %add3A_4 {offsets = [0, 5], sizes = [512, 1], strides = [1, 1]} : vector<512x26xi32> to vector<512x1xi32>
    %eq3A_130 = vector.broadcast %slice3A_129 : vector<512x1xi32> to vector<512x128xi32>
    %eq3A_131 = arith.cmpi eq, %eq3A_130, %add3A_128 : vector<512x128xi32>
    %swap3A_132 = arith.constant 0 : index
    %swap3A_133 = arith.constant 1024 : index
    %swap3A_134 = vector.load %arg2[%swap3A_132, %swap3A_133] : memref<512x5200xi32, #tpu.memory_space<vmem>>, vector<512x128xi32>
    %swap3A_135 = arith.extui %eq3A_131 : vector<512x128xi1> to vector<512x128xi32>
    %swap3A_136 = arith.constant dense<0> : vector<512x128xi32>
    %swap3A_137 = arith.cmpi ne, %swap3A_134, %swap3A_136 : vector<512x128xi32>
    tpu.vector_store %arg2[%swap3A_132, %swap3A_133], %swap3A_135 {strides = array<i32>} : memref<512x5200xi32, #tpu.memory_space<vmem>>, vector<512x128xi32>,
    %iota3A_138 = tpu.iota {dimensions = array<i32: 1>} : vector<512x128xi32>
    %add3A_139 = arith.constant 1152 : i32
    %add3A_140 = vector.broadcast %add3A_139 : i32 to vector<512x128xi32>
    %add3A_141 = arith.addi %add3A_140, %iota3A_138 : vector<512x128xi32>
    %slice3A_142 = vector.extract_strided_slice %add3A_4 {offsets = [0, 5], sizes = [512, 1], strides = [1, 1]} : vector<512x26xi32> to vector<512x1xi32>
    %eq3A_143 = vector.broadcast %slice3A_142 : vector<512x1xi32> to vector<512x128xi32>
    %eq3A_144 = arith.cmpi eq, %eq3A_143, %add3A_141 : vector<512x128xi32>
    %slice3A_145 = vector.extract_strided_slice %add3A_4 {offsets = [0, 6], sizes = [512, 1], strides = [1, 1]} : vector<512x26xi32> to vector<512x1xi32>
    %eq3A_146 = vector.broadcast %slice3A_145 : vector<512x1xi32> to vector<512x128xi32>
    %eq3A_147 = arith.cmpi eq, %eq3A_146, %add3A_141 : vector<512x128xi32>
    %or3A_148 = arith.ori %eq3A_144, %eq3A_147 : vector<512x128xi1>
    %swap3A_149 = arith.constant 0 : index
    %swap3A_150 = arith.constant 1152 : index
    %swap3A_151 = vector.load %arg2[%swap3A_149, %swap3A_150] : memref<512x5200xi32, #tpu.memory_space<vmem>>, vector<512x128xi32>
    %swap3A_152 = arith.extui %or3A_148 : vector<512x128xi1> to vector<512x128xi32>
    %swap3A_153 = arith.constant dense<0> : vector<512x128xi32>
    %swap3A_154 = arith.cmpi ne, %swap3A_151, %swap3A_153 : vector<512x128xi32>
    tpu.vector_store %arg2[%swap3A_149, %swap3A_150], %swap3A_152 {strides = array<i32>} : memref<512x5200xi32, #tpu.memory_space<vmem>>, vector<512x128xi32>,
    %iota3A_155 = tpu.iota {dimensions = array<i32: 1>} : vector<512x128xi32>
    %add3A_156 = arith.constant 1280 : i32
    %add3A_157 = vector.broadcast %add3A_156 : i32 to vector<512x128xi32>
    %add3A_158 = arith.addi %add3A_157, %iota3A_155 : vector<512x128xi32>
    %slice3A_159 = vector.extract_strided_slice %add3A_4 {offsets = [0, 6], sizes = [512, 1], strides = [1, 1]} : vector<512x26xi32> to vector<512x1xi32>
    %eq3A_160 = vector.broadcast %slice3A_159 : vector<512x1xi32> to vector<512x128xi32>
    %eq3A_161 = arith.cmpi eq, %eq3A_160, %add3A_158 : vector<512x128xi32>
    %slice3A_162 = vector.extract_strided_slice %add3A_4 {offsets = [0, 7], sizes = [512, 1], strides = [1, 1]} : vector<512x26xi32> to vector<512x1xi32>
    %eq3A_163 = vector.broadcast %slice3A_162 : vector<512x1xi32> to vector<512x128xi32>
    %eq3A_164 = arith.cmpi eq, %eq3A_163, %add3A_158 : vector<512x128xi32>
    %or3A_165 = arith.ori %eq3A_161, %eq3A_164 : vector<512x128xi1>
    %swap3A_166 = arith.constant 0 : index
    %swap3A_167 = arith.constant 1280 : index
    %swap3A_168 = vector.load %arg2[%swap3A_166, %swap3A_167] : memref<512x5200xi32, #tpu.memory_space<vmem>>, vector<512x128xi32>
    %swap3A_169 = arith.extui %or3A_165 : vector<512x128xi1> to vector<512x128xi32>
    %swap3A_170 = arith.constant dense<0> : vector<512x128xi32>
    %swap3A_171 = arith.cmpi ne, %swap3A_168, %swap3A_170 : vector<512x128xi32>
    tpu.vector_store %arg2[%swap3A_166, %swap3A_167], %swap3A_169 {strides = array<i32>} : memref<512x5200xi32, #tpu.memory_space<vmem>>, vector<512x128xi32>,
    %iota3A_172 = tpu.iota {dimensions = array<i32: 1>} : vector<512x128xi32>
    %add3A_173 = arith.constant 1408 : i32
    %add3A_174 = vector.broadcast %add3A_173 : i32 to vector<512x128xi32>
    %add3A_175 = arith.addi %add3A_174, %iota3A_172 : vector<512x128xi32>
    %slice3A_176 = vector.extract_strided_slice %add3A_4 {offsets = [0, 7], sizes = [512, 1], strides = [1, 1]} : vector<512x26xi32> to vector<512x1xi32>
    %eq3A_177 = vector.broadcast %slice3A_176 : vector<512x1xi32> to vector<512x128xi32>
    %eq3A_178 = arith.cmpi eq, %eq3A_177, %add3A_175 : vector<512x128xi32>
    %swap3A_179 = arith.constant 0 : index
    %swap3A_180 = arith.constant 1408 : index
    %swap3A_181 = vector.load %arg2[%swap3A_179, %swap3A_180] : memref<512x5200xi32, #tpu.memory_space<vmem>>, vector<512x128xi32>
    %swap3A_182 = arith.extui %eq3A_178 : vector<512x128xi1> to vector<512x128xi32>
    %swap3A_183 = arith.constant dense<0> : vector<512x128xi32>
    %swap3A_184 = arith.cmpi ne, %swap3A_181, %swap3A_183 : vector<512x128xi32>
    tpu.vector_store %arg2[%swap3A_179, %swap3A_180], %swap3A_182 {strides = array<i32>} : memref<512x5200xi32, #tpu.memory_space<vmem>>, vector<512x128xi32>,
    %iota3A_185 = tpu.iota {dimensions = array<i32: 1>} : vector<512x128xi32>
    %add3A_186 = arith.constant 1536 : i32
    %add3A_187 = vector.broadcast %add3A_186 : i32 to vector<512x128xi32>
    %add3A_188 = arith.addi %add3A_187, %iota3A_185 : vector<512x128xi32>
    %slice3A_189 = vector.extract_strided_slice %add3A_4 {offsets = [0, 7], sizes = [512, 1], strides = [1, 1]} : vector<512x26xi32> to vector<512x1xi32>
    %eq3A_190 = vector.broadcast %slice3A_189 : vector<512x1xi32> to vector<512x128xi32>
    %eq3A_191 = arith.cmpi eq, %eq3A_190, %add3A_188 : vector<512x128xi32>
    %slice3A_192 = vector.extract_strided_slice %add3A_4 {offsets = [0, 8], sizes = [512, 1], strides = [1, 1]} : vector<512x26xi32> to vector<512x1xi32>
    %eq3A_193 = vector.broadcast %slice3A_192 : vector<512x1xi32> to vector<512x128xi32>
    %eq3A_194 = arith.cmpi eq, %eq3A_193, %add3A_188 : vector<512x128xi32>
    %or3A_195 = arith.ori %eq3A_191, %eq3A_194 : vector<512x128xi1>
    %swap3A_196 = arith.constant 0 : index
    %swap3A_197 = arith.constant 1536 : index
    %swap3A_198 = vector.load %arg2[%swap3A_196, %swap3A_197] : memref<512x5200xi32, #tpu.memory_space<vmem>>, vector<512x128xi32>
    %swap3A_199 = arith.extui %or3A_195 : vector<512x128xi1> to vector<512x128xi32>
    %swap3A_200 = arith.constant dense<0> : vector<512x128xi32>
    %swap3A_201 = arith.cmpi ne, %swap3A_198, %swap3A_200 : vector<512x128xi32>
    tpu.vector_store %arg2[%swap3A_196, %swap3A_197], %swap3A_199 {strides = array<i32>} : memref<512x5200xi32, #tpu.memory_space<vmem>>, vector<512x128xi32>,
    %iota3A_202 = tpu.iota {dimensions = array<i32: 1>} : vector<512x128xi32>
    %add3A_203 = arith.constant 1664 : i32
    %add3A_204 = vector.broadcast %add3A_203 : i32 to vector<512x128xi32>
    %add3A_205 = arith.addi %add3A_204, %iota3A_202 : vector<512x128xi32>
    %slice3A_206 = vector.extract_strided_slice %add3A_4 {offsets = [0, 8], sizes = [512, 1], strides = [1, 1]} : vector<512x26xi32> to vector<512x1xi32>
    %eq3A_207 = vector.broadcast %slice3A_206 : vector<512x1xi32> to vector<512x128xi32>
    %eq3A_208 = arith.cmpi eq, %eq3A_207, %add3A_205 : vector<512x128xi32>
    %swap3A_209 = arith.constant 0 : index
    %swap3A_210 = arith.constant 1664 : index
    %swap3A_211 = vector.load %arg2[%swap3A_209, %swap3A_210] : memref<512x5200xi32, #tpu.memory_space<vmem>>, vector<512x128xi32>
    %swap3A_212 = arith.extui %eq3A_208 : vector<512x128xi1> to vector<512x128xi32>
    %swap3A_213 = arith.constant dense<0> : vector<512x128xi32>
    %swap3A_214 = arith.cmpi ne, %swap3A_211, %swap3A_213 : vector<512x128xi32>
    tpu.vector_store %arg2[%swap3A_209, %swap3A_210], %swap3A_212 {strides = array<i32>} : memref<512x5200xi32, #tpu.memory_space<vmem>>, vector<512x128xi32>,
    %iota3A_215 = tpu.iota {dimensions = array<i32: 1>} : vector<512x128xi32>
    %add3A_216 = arith.constant 1792 : i32
    %add3A_217 = vector.broadcast %add3A_216 : i32 to vector<512x128xi32>
    %add3A_218 = arith.addi %add3A_217, %iota3A_215 : vector<512x128xi32>
    %slice3A_219 = vector.extract_strided_slice %add3A_4 {offsets = [0, 8], sizes = [512, 1], strides = [1, 1]} : vector<512x26xi32> to vector<512x1xi32>
    %eq3A_220 = vector.broadcast %slice3A_219 : vector<512x1xi32> to vector<512x128xi32>
    %eq3A_221 = arith.cmpi eq, %eq3A_220, %add3A_218 : vector<512x128xi32>
    %slice3A_222 = vector.extract_strided_slice %add3A_4 {offsets = [0, 9], sizes = [512, 1], strides = [1, 1]} : vector<512x26xi32> to vector<512x1xi32>
    %eq3A_223 = vector.broadcast %slice3A_222 : vector<512x1xi32> to vector<512x128xi32>
    %eq3A_224 = arith.cmpi eq, %eq3A_223, %add3A_218 : vector<512x128xi32>
    %or3A_225 = arith.ori %eq3A_221, %eq3A_224 : vector<512x128xi1>
    %swap3A_226 = arith.constant 0 : index
    %swap3A_227 = arith.constant 1792 : index
    %swap3A_228 = vector.load %arg2[%swap3A_226, %swap3A_227] : memref<512x5200xi32, #tpu.memory_space<vmem>>, vector<512x128xi32>
    %swap3A_229 = arith.extui %or3A_225 : vector<512x128xi1> to vector<512x128xi32>
    %swap3A_230 = arith.constant dense<0> : vector<512x128xi32>
    %swap3A_231 = arith.cmpi ne, %swap3A_228, %swap3A_230 : vector<512x128xi32>
    tpu.vector_store %arg2[%swap3A_226, %swap3A_227], %swap3A_229 {strides = array<i32>} : memref<512x5200xi32, #tpu.memory_space<vmem>>, vector<512x128xi32>,
    %iota3A_232 = tpu.iota {dimensions = array<i32: 1>} : vector<512x128xi32>
    %add3A_233 = arith.constant 1920 : i32
    %add3A_234 = vector.broadcast %add3A_233 : i32 to vector<512x128xi32>
    %add3A_235 = arith.addi %add3A_234, %iota3A_232 : vector<512x128xi32>
    %slice3A_236 = vector.extract_strided_slice %add3A_4 {offsets = [0, 9], sizes = [512, 1], strides = [1, 1]} : vector<512x26xi32> to vector<512x1xi32>
    %eq3A_237 = vector.broadcast %slice3A_236 : vector<512x1xi32> to vector<512x128xi32>
    %eq3A_238 = arith.cmpi eq, %eq3A_237, %add3A_235 : vector<512x128xi32>
    %slice3A_239 = vector.extract_strided_slice %add3A_4 {offsets = [0, 10], sizes = [512, 1], strides = [1, 1]} : vector<512x26xi32> to vector<512x1xi32>
    %eq3A_240 = vector.broadcast %slice3A_239 : vector<512x1xi32> to vector<512x128xi32>
    %eq3A_241 = arith.cmpi eq, %eq3A_240, %add3A_235 : vector<512x128xi32>
    %or3A_242 = arith.ori %eq3A_238, %eq3A_241 : vector<512x128xi1>
    %swap3A_243 = arith.constant 0 : index
    %swap3A_244 = arith.constant 1920 : index
    %swap3A_245 = vector.load %arg2[%swap3A_243, %swap3A_244] : memref<512x5200xi32, #tpu.memory_space<vmem>>, vector<512x128xi32>
    %swap3A_246 = arith.extui %or3A_242 : vector<512x128xi1> to vector<512x128xi32>
    %swap3A_247 = arith.constant dense<0> : vector<512x128xi32>
    %swap3A_248 = arith.cmpi ne, %swap3A_245, %swap3A_247 : vector<512x128xi32>
    tpu.vector_store %arg2[%swap3A_243, %swap3A_244], %swap3A_246 {strides = array<i32>} : memref<512x5200xi32, #tpu.memory_space<vmem>>, vector<512x128xi32>,
    %iota3A_249 = tpu.iota {dimensions = array<i32: 1>} : vector<512x128xi32>
    %add3A_250 = arith.constant 2048 : i32
    %add3A_251 = vector.broadcast %add3A_250 : i32 to vector<512x128xi32>
    %add3A_252 = arith.addi %add3A_251, %iota3A_249 : vector<512x128xi32>
    %slice3A_253 = vector.extract_strided_slice %add3A_4 {offsets = [0, 10], sizes = [512, 1], strides = [1, 1]} : vector<512x26xi32> to vector<512x1xi32>
    %eq3A_254 = vector.broadcast %slice3A_253 : vector<512x1xi32> to vector<512x128xi32>
    %eq3A_255 = arith.cmpi eq, %eq3A_254, %add3A_252 : vector<512x128xi32>
    %swap3A_256 = arith.constant 0 : index
    %swap3A_257 = arith.constant 2048 : index
    %swap3A_258 = vector.load %arg2[%swap3A_256, %swap3A_257] : memref<512x5200xi32, #tpu.memory_space<vmem>>, vector<512x128xi32>
    %swap3A_259 = arith.extui %eq3A_255 : vector<512x128xi1> to vector<512x128xi32>
    %swap3A_260 = arith.constant dense<0> : vector<512x128xi32>
    %swap3A_261 = arith.cmpi ne, %swap3A_258, %swap3A_260 : vector<512x128xi32>
    tpu.vector_store %arg2[%swap3A_256, %swap3A_257], %swap3A_259 {strides = array<i32>} : memref<512x5200xi32, #tpu.memory_space<vmem>>, vector<512x128xi32>,
    %iota3A_262 = tpu.iota {dimensions = array<i32: 1>} : vector<512x128xi32>
    %add3A_263 = arith.constant 2176 : i32
    %add3A_264 = vector.broadcast %add3A_263 : i32 to vector<512x128xi32>
    %add3A_265 = arith.addi %add3A_264, %iota3A_262 : vector<512x128xi32>
    %slice3A_266 = vector.extract_strided_slice %add3A_4 {offsets = [0, 10], sizes = [512, 1], strides = [1, 1]} : vector<512x26xi32> to vector<512x1xi32>
    %eq3A_267 = vector.broadcast %slice3A_266 : vector<512x1xi32> to vector<512x128xi32>
    %eq3A_268 = arith.cmpi eq, %eq3A_267, %add3A_265 : vector<512x128xi32>
    %slice3A_269 = vector.extract_strided_slice %add3A_4 {offsets = [0, 11], sizes = [512, 1], strides = [1, 1]} : vector<512x26xi32> to vector<512x1xi32>
    %eq3A_270 = vector.broadcast %slice3A_269 : vector<512x1xi32> to vector<512x128xi32>
    %eq3A_271 = arith.cmpi eq, %eq3A_270, %add3A_265 : vector<512x128xi32>
    %or3A_272 = arith.ori %eq3A_268, %eq3A_271 : vector<512x128xi1>
    %swap3A_273 = arith.constant 0 : index
    %swap3A_274 = arith.constant 2176 : index
    %swap3A_275 = vector.load %arg2[%swap3A_273, %swap3A_274] : memref<512x5200xi32, #tpu.memory_space<vmem>>, vector<512x128xi32>
    %swap3A_276 = arith.extui %or3A_272 : vector<512x128xi1> to vector<512x128xi32>
    %swap3A_277 = arith.constant dense<0> : vector<512x128xi32>
    %swap3A_278 = arith.cmpi ne, %swap3A_275, %swap3A_277 : vector<512x128xi32>
    tpu.vector_store %arg2[%swap3A_273, %swap3A_274], %swap3A_276 {strides = array<i32>} : memref<512x5200xi32, #tpu.memory_space<vmem>>, vector<512x128xi32>,
    %iota3A_279 = tpu.iota {dimensions = array<i32: 1>} : vector<512x128xi32>
    %add3A_280 = arith.constant 2304 : i32
    %add3A_281 = vector.broadcast %add3A_280 : i32 to vector<512x128xi32>
    %add3A_282 = arith.addi %add3A_281, %iota3A_279 : vector<512x128xi32>
    %slice3A_283 = vector.extract_strided_slice %add3A_4 {offsets = [0, 11], sizes = [512, 1], strides = [1, 1]} : vector<512x26xi32> to vector<512x1xi32>
    %eq3A_284 = vector.broadcast %slice3A_283 : vector<512x1xi32> to vector<512x128xi32>
    %eq3A_285 = arith.cmpi eq, %eq3A_284, %add3A_282 : vector<512x128xi32>
    %slice3A_286 = vector.extract_strided_slice %add3A_4 {offsets = [0, 12], sizes = [512, 1], strides = [1, 1]} : vector<512x26xi32> to vector<512x1xi32>
    %eq3A_287 = vector.broadcast %slice3A_286 : vector<512x1xi32> to vector<512x128xi32>
    %eq3A_288 = arith.cmpi eq, %eq3A_287, %add3A_282 : vector<512x128xi32>
    %or3A_289 = arith.ori %eq3A_285, %eq3A_288 : vector<512x128xi1>
    %swap3A_290 = arith.constant 0 : index
    %swap3A_291 = arith.constant 2304 : index
    %swap3A_292 = vector.load %arg2[%swap3A_290, %swap3A_291] : memref<512x5200xi32, #tpu.memory_space<vmem>>, vector<512x128xi32>
    %swap3A_293 = arith.extui %or3A_289 : vector<512x128xi1> to vector<512x128xi32>
    %swap3A_294 = arith.constant dense<0> : vector<512x128xi32>
    %swap3A_295 = arith.cmpi ne, %swap3A_292, %swap3A_294 : vector<512x128xi32>
    tpu.vector_store %arg2[%swap3A_290, %swap3A_291], %swap3A_293 {strides = array<i32>} : memref<512x5200xi32, #tpu.memory_space<vmem>>, vector<512x128xi32>,
    %iota3A_296 = tpu.iota {dimensions = array<i32: 1>} : vector<512x128xi32>
    %add3A_297 = arith.constant 2432 : i32
    %add3A_298 = vector.broadcast %add3A_297 : i32 to vector<512x128xi32>
    %add3A_299 = arith.addi %add3A_298, %iota3A_296 : vector<512x128xi32>
    %slice3A_300 = vector.extract_strided_slice %add3A_4 {offsets = [0, 12], sizes = [512, 1], strides = [1, 1]} : vector<512x26xi32> to vector<512x1xi32>
    %eq3A_301 = vector.broadcast %slice3A_300 : vector<512x1xi32> to vector<512x128xi32>
    %eq3A_302 = arith.cmpi eq, %eq3A_301, %add3A_299 : vector<512x128xi32>
    %swap3A_303 = arith.constant 0 : index
    %swap3A_304 = arith.constant 2432 : index
    %swap3A_305 = vector.load %arg2[%swap3A_303, %swap3A_304] : memref<512x5200xi32, #tpu.memory_space<vmem>>, vector<512x128xi32>
    %swap3A_306 = arith.extui %eq3A_302 : vector<512x128xi1> to vector<512x128xi32>
    %swap3A_307 = arith.constant dense<0> : vector<512x128xi32>
    %swap3A_308 = arith.cmpi ne, %swap3A_305, %swap3A_307 : vector<512x128xi32>
    tpu.vector_store %arg2[%swap3A_303, %swap3A_304], %swap3A_306 {strides = array<i32>} : memref<512x5200xi32, #tpu.memory_space<vmem>>, vector<512x128xi32>,
    %iota3A_309 = tpu.iota {dimensions = array<i32: 1>} : vector<512x128xi32>
    %add3A_310 = arith.constant 2560 : i32
    %add3A_311 = vector.broadcast %add3A_310 : i32 to vector<512x128xi32>
    %add3A_312 = arith.addi %add3A_311, %iota3A_309 : vector<512x128xi32>
    %slice3A_313 = vector.extract_strided_slice %add3A_4 {offsets = [0, 12], sizes = [512, 1], strides = [1, 1]} : vector<512x26xi32> to vector<512x1xi32>
    %eq3A_314 = vector.broadcast %slice3A_313 : vector<512x1xi32> to vector<512x128xi32>
    %eq3A_315 = arith.cmpi eq, %eq3A_314, %add3A_312 : vector<512x128xi32>
    %slice3A_316 = vector.extract_strided_slice %add3A_4 {offsets = [0, 13], sizes = [512, 1], strides = [1, 1]} : vector<512x26xi32> to vector<512x1xi32>
    %eq3A_317 = vector.broadcast %slice3A_316 : vector<512x1xi32> to vector<512x128xi32>
    %eq3A_318 = arith.cmpi eq, %eq3A_317, %add3A_312 : vector<512x128xi32>
    %or3A_319 = arith.ori %eq3A_315, %eq3A_318 : vector<512x128xi1>
    %swap3A_320 = arith.constant 0 : index
    %swap3A_321 = arith.constant 2560 : index
    %swap3A_322 = vector.load %arg2[%swap3A_320, %swap3A_321] : memref<512x5200xi32, #tpu.memory_space<vmem>>, vector<512x128xi32>
    %swap3A_323 = arith.extui %or3A_319 : vector<512x128xi1> to vector<512x128xi32>
    %swap3A_324 = arith.constant dense<0> : vector<512x128xi32>
    %swap3A_325 = arith.cmpi ne, %swap3A_322, %swap3A_324 : vector<512x128xi32>
    tpu.vector_store %arg2[%swap3A_320, %swap3A_321], %swap3A_323 {strides = array<i32>} : memref<512x5200xi32, #tpu.memory_space<vmem>>, vector<512x128xi32>,
    %iota3A_326 = tpu.iota {dimensions = array<i32: 1>} : vector<512x128xi32>
    %add3A_327 = arith.constant 2688 : i32
    %add3A_328 = vector.broadcast %add3A_327 : i32 to vector<512x128xi32>
    %add3A_329 = arith.addi %add3A_328, %iota3A_326 : vector<512x128xi32>
    %slice3A_330 = vector.extract_strided_slice %add3A_4 {offsets = [0, 13], sizes = [512, 1], strides = [1, 1]} : vector<512x26xi32> to vector<512x1xi32>
    %eq3A_331 = vector.broadcast %slice3A_330 : vector<512x1xi32> to vector<512x128xi32>
    %eq3A_332 = arith.cmpi eq, %eq3A_331, %add3A_329 : vector<512x128xi32>
    %slice3A_333 = vector.extract_strided_slice %add3A_4 {offsets = [0, 14], sizes = [512, 1], strides = [1, 1]} : vector<512x26xi32> to vector<512x1xi32>
    %eq3A_334 = vector.broadcast %slice3A_333 : vector<512x1xi32> to vector<512x128xi32>
    %eq3A_335 = arith.cmpi eq, %eq3A_334, %add3A_329 : vector<512x128xi32>
    %or3A_336 = arith.ori %eq3A_332, %eq3A_335 : vector<512x128xi1>
    %swap3A_337 = arith.constant 0 : index
    %swap3A_338 = arith.constant 2688 : index
    %swap3A_339 = vector.load %arg2[%swap3A_337, %swap3A_338] : memref<512x5200xi32, #tpu.memory_space<vmem>>, vector<512x128xi32>
    %swap3A_340 = arith.extui %or3A_336 : vector<512x128xi1> to vector<512x128xi32>
    %swap3A_341 = arith.constant dense<0> : vector<512x128xi32>
    %swap3A_342 = arith.cmpi ne, %swap3A_339, %swap3A_341 : vector<512x128xi32>
    tpu.vector_store %arg2[%swap3A_337, %swap3A_338], %swap3A_340 {strides = array<i32>} : memref<512x5200xi32, #tpu.memory_space<vmem>>, vector<512x128xi32>,
    %iota3A_343 = tpu.iota {dimensions = array<i32: 1>} : vector<512x128xi32>
    %add3A_344 = arith.constant 2816 : i32
    %add3A_345 = vector.broadcast %add3A_344 : i32 to vector<512x128xi32>
    %add3A_346 = arith.addi %add3A_345, %iota3A_343 : vector<512x128xi32>
    %slice3A_347 = vector.extract_strided_slice %add3A_4 {offsets = [0, 14], sizes = [512, 1], strides = [1, 1]} : vector<512x26xi32> to vector<512x1xi32>
    %eq3A_348 = vector.broadcast %slice3A_347 : vector<512x1xi32> to vector<512x128xi32>
    %eq3A_349 = arith.cmpi eq, %eq3A_348, %add3A_346 : vector<512x128xi32>
    %swap3A_350 = arith.constant 0 : index
    %swap3A_351 = arith.constant 2816 : index
    %swap3A_352 = vector.load %arg2[%swap3A_350, %swap3A_351] : memref<512x5200xi32, #tpu.memory_space<vmem>>, vector<512x128xi32>
    %swap3A_353 = arith.extui %eq3A_349 : vector<512x128xi1> to vector<512x128xi32>
    %swap3A_354 = arith.constant dense<0> : vector<512x128xi32>
    %swap3A_355 = arith.cmpi ne, %swap3A_352, %swap3A_354 : vector<512x128xi32>
    tpu.vector_store %arg2[%swap3A_350, %swap3A_351], %swap3A_353 {strides = array<i32>} : memref<512x5200xi32, #tpu.memory_space<vmem>>, vector<512x128xi32>,
    %iota3A_356 = tpu.iota {dimensions = array<i32: 1>} : vector<512x128xi32>
    %add3A_357 = arith.constant 2944 : i32
    %add3A_358 = vector.broadcast %add3A_357 : i32 to vector<512x128xi32>
    %add3A_359 = arith.addi %add3A_358, %iota3A_356 : vector<512x128xi32>
    %slice3A_360 = vector.extract_strided_slice %add3A_4 {offsets = [0, 14], sizes = [512, 1], strides = [1, 1]} : vector<512x26xi32> to vector<512x1xi32>
    %eq3A_361 = vector.broadcast %slice3A_360 : vector<512x1xi32> to vector<512x128xi32>
    %eq3A_362 = arith.cmpi eq, %eq3A_361, %add3A_359 : vector<512x128xi32>
    %slice3A_363 = vector.extract_strided_slice %add3A_4 {offsets = [0, 15], sizes = [512, 1], strides = [1, 1]} : vector<512x26xi32> to vector<512x1xi32>
    %eq3A_364 = vector.broadcast %slice3A_363 : vector<512x1xi32> to vector<512x128xi32>
    %eq3A_365 = arith.cmpi eq, %eq3A_364, %add3A_359 : vector<512x128xi32>
    %or3A_366 = arith.ori %eq3A_362, %eq3A_365 : vector<512x128xi1>
    %swap3A_367 = arith.constant 0 : index
    %swap3A_368 = arith.constant 2944 : index
    %swap3A_369 = vector.load %arg2[%swap3A_367, %swap3A_368] : memref<512x5200xi32, #tpu.memory_space<vmem>>, vector<512x128xi32>
    %swap3A_370 = arith.extui %or3A_366 : vector<512x128xi1> to vector<512x128xi32>
    %swap3A_371 = arith.constant dense<0> : vector<512x128xi32>
    %swap3A_372 = arith.cmpi ne, %swap3A_369, %swap3A_371 : vector<512x128xi32>
    tpu.vector_store %arg2[%swap3A_367, %swap3A_368], %swap3A_370 {strides = array<i32>} : memref<512x5200xi32, #tpu.memory_space<vmem>>, vector<512x128xi32>,
    %iota3A_373 = tpu.iota {dimensions = array<i32: 1>} : vector<512x128xi32>
    %add3A_374 = arith.constant 3072 : i32
    %add3A_375 = vector.broadcast %add3A_374 : i32 to vector<512x128xi32>
    %add3A_376 = arith.addi %add3A_375, %iota3A_373 : vector<512x128xi32>
    %slice3A_377 = vector.extract_strided_slice %add3A_4 {offsets = [0, 15], sizes = [512, 1], strides = [1, 1]} : vector<512x26xi32> to vector<512x1xi32>
    %eq3A_378 = vector.broadcast %slice3A_377 : vector<512x1xi32> to vector<512x128xi32>
    %eq3A_379 = arith.cmpi eq, %eq3A_378, %add3A_376 : vector<512x128xi32>
    %swap3A_380 = arith.constant 0 : index
    %swap3A_381 = arith.constant 3072 : index
    %swap3A_382 = vector.load %arg2[%swap3A_380, %swap3A_381] : memref<512x5200xi32, #tpu.memory_space<vmem>>, vector<512x128xi32>
    %swap3A_383 = arith.extui %eq3A_379 : vector<512x128xi1> to vector<512x128xi32>
    %swap3A_384 = arith.constant dense<0> : vector<512x128xi32>
    %swap3A_385 = arith.cmpi ne, %swap3A_382, %swap3A_384 : vector<512x128xi32>
    tpu.vector_store %arg2[%swap3A_380, %swap3A_381], %swap3A_383 {strides = array<i32>} : memref<512x5200xi32, #tpu.memory_space<vmem>>, vector<512x128xi32>,
    %iota3A_386 = tpu.iota {dimensions = array<i32: 1>} : vector<512x128xi32>
    %add3A_387 = arith.constant 3200 : i32
    %add3A_388 = vector.broadcast %add3A_387 : i32 to vector<512x128xi32>
    %add3A_389 = arith.addi %add3A_388, %iota3A_386 : vector<512x128xi32>
    %slice3A_390 = vector.extract_strided_slice %add3A_4 {offsets = [0, 16], sizes = [512, 1], strides = [1, 1]} : vector<512x26xi32> to vector<512x1xi32>
    %eq3A_391 = vector.broadcast %slice3A_390 : vector<512x1xi32> to vector<512x128xi32>
    %eq3A_392 = arith.cmpi eq, %eq3A_391, %add3A_389 : vector<512x128xi32>
    %swap3A_393 = arith.constant 0 : index
    %swap3A_394 = arith.constant 3200 : index
    %swap3A_395 = vector.load %arg2[%swap3A_393, %swap3A_394] : memref<512x5200xi32, #tpu.memory_space<vmem>>, vector<512x128xi32>
    %swap3A_396 = arith.extui %eq3A_392 : vector<512x128xi1> to vector<512x128xi32>
    %swap3A_397 = arith.constant dense<0> : vector<512x128xi32>
    %swap3A_398 = arith.cmpi ne, %swap3A_395, %swap3A_397 : vector<512x128xi32>
    tpu.vector_store %arg2[%swap3A_393, %swap3A_394], %swap3A_396 {strides = array<i32>} : memref<512x5200xi32, #tpu.memory_space<vmem>>, vector<512x128xi32>,
    %iota3A_399 = tpu.iota {dimensions = array<i32: 1>} : vector<512x128xi32>
    %add3A_400 = arith.constant 3328 : i32
    %add3A_401 = vector.broadcast %add3A_400 : i32 to vector<512x128xi32>
    %add3A_402 = arith.addi %add3A_401, %iota3A_399 : vector<512x128xi32>
    %slice3A_403 = vector.extract_strided_slice %add3A_4 {offsets = [0, 16], sizes = [512, 1], strides = [1, 1]} : vector<512x26xi32> to vector<512x1xi32>
    %eq3A_404 = vector.broadcast %slice3A_403 : vector<512x1xi32> to vector<512x128xi32>
    %eq3A_405 = arith.cmpi eq, %eq3A_404, %add3A_402 : vector<512x128xi32>
    %slice3A_406 = vector.extract_strided_slice %add3A_4 {offsets = [0, 17], sizes = [512, 1], strides = [1, 1]} : vector<512x26xi32> to vector<512x1xi32>
    %eq3A_407 = vector.broadcast %slice3A_406 : vector<512x1xi32> to vector<512x128xi32>
    %eq3A_408 = arith.cmpi eq, %eq3A_407, %add3A_402 : vector<512x128xi32>
    %or3A_409 = arith.ori %eq3A_405, %eq3A_408 : vector<512x128xi1>
    %swap3A_410 = arith.constant 0 : index
    %swap3A_411 = arith.constant 3328 : index
    %swap3A_412 = vector.load %arg2[%swap3A_410, %swap3A_411] : memref<512x5200xi32, #tpu.memory_space<vmem>>, vector<512x128xi32>
    %swap3A_413 = arith.extui %or3A_409 : vector<512x128xi1> to vector<512x128xi32>
    %swap3A_414 = arith.constant dense<0> : vector<512x128xi32>
    %swap3A_415 = arith.cmpi ne, %swap3A_412, %swap3A_414 : vector<512x128xi32>
    tpu.vector_store %arg2[%swap3A_410, %swap3A_411], %swap3A_413 {strides = array<i32>} : memref<512x5200xi32, #tpu.memory_space<vmem>>, vector<512x128xi32>,
    %iota3A_416 = tpu.iota {dimensions = array<i32: 1>} : vector<512x128xi32>
    %add3A_417 = arith.constant 3456 : i32
    %add3A_418 = vector.broadcast %add3A_417 : i32 to vector<512x128xi32>
    %add3A_419 = arith.addi %add3A_418, %iota3A_416 : vector<512x128xi32>
    %slice3A_420 = vector.extract_strided_slice %add3A_4 {offsets = [0, 17], sizes = [512, 1], strides = [1, 1]} : vector<512x26xi32> to vector<512x1xi32>
    %eq3A_421 = vector.broadcast %slice3A_420 : vector<512x1xi32> to vector<512x128xi32>
    %eq3A_422 = arith.cmpi eq, %eq3A_421, %add3A_419 : vector<512x128xi32>
    %swap3A_423 = arith.constant 0 : index
    %swap3A_424 = arith.constant 3456 : index
    %swap3A_425 = vector.load %arg2[%swap3A_423, %swap3A_424] : memref<512x5200xi32, #tpu.memory_space<vmem>>, vector<512x128xi32>
    %swap3A_426 = arith.extui %eq3A_422 : vector<512x128xi1> to vector<512x128xi32>
    %swap3A_427 = arith.constant dense<0> : vector<512x128xi32>
    %swap3A_428 = arith.cmpi ne, %swap3A_425, %swap3A_427 : vector<512x128xi32>
    tpu.vector_store %arg2[%swap3A_423, %swap3A_424], %swap3A_426 {strides = array<i32>} : memref<512x5200xi32, #tpu.memory_space<vmem>>, vector<512x128xi32>,
    %iota3A_429 = tpu.iota {dimensions = array<i32: 1>} : vector<512x128xi32>
    %add3A_430 = arith.constant 3584 : i32
    %add3A_431 = vector.broadcast %add3A_430 : i32 to vector<512x128xi32>
    %add3A_432 = arith.addi %add3A_431, %iota3A_429 : vector<512x128xi32>
    %slice3A_433 = vector.extract_strided_slice %add3A_4 {offsets = [0, 17], sizes = [512, 1], strides = [1, 1]} : vector<512x26xi32> to vector<512x1xi32>
    %eq3A_434 = vector.broadcast %slice3A_433 : vector<512x1xi32> to vector<512x128xi32>
    %eq3A_435 = arith.cmpi eq, %eq3A_434, %add3A_432 : vector<512x128xi32>
    %slice3A_436 = vector.extract_strided_slice %add3A_4 {offsets = [0, 18], sizes = [512, 1], strides = [1, 1]} : vector<512x26xi32> to vector<512x1xi32>
    %eq3A_437 = vector.broadcast %slice3A_436 : vector<512x1xi32> to vector<512x128xi32>
    %eq3A_438 = arith.cmpi eq, %eq3A_437, %add3A_432 : vector<512x128xi32>
    %or3A_439 = arith.ori %eq3A_435, %eq3A_438 : vector<512x128xi1>
    %swap3A_440 = arith.constant 0 : index
    %swap3A_441 = arith.constant 3584 : index
    %swap3A_442 = vector.load %arg2[%swap3A_440, %swap3A_441] : memref<512x5200xi32, #tpu.memory_space<vmem>>, vector<512x128xi32>
    %swap3A_443 = arith.extui %or3A_439 : vector<512x128xi1> to vector<512x128xi32>
    %swap3A_444 = arith.constant dense<0> : vector<512x128xi32>
    %swap3A_445 = arith.cmpi ne, %swap3A_442, %swap3A_444 : vector<512x128xi32>
    tpu.vector_store %arg2[%swap3A_440, %swap3A_441], %swap3A_443 {strides = array<i32>} : memref<512x5200xi32, #tpu.memory_space<vmem>>, vector<512x128xi32>,
    %iota3A_446 = tpu.iota {dimensions = array<i32: 1>} : vector<512x128xi32>
    %add3A_447 = arith.constant 3712 : i32
    %add3A_448 = vector.broadcast %add3A_447 : i32 to vector<512x128xi32>
    %add3A_449 = arith.addi %add3A_448, %iota3A_446 : vector<512x128xi32>
    %slice3A_450 = vector.extract_strided_slice %add3A_4 {offsets = [0, 18], sizes = [512, 1], strides = [1, 1]} : vector<512x26xi32> to vector<512x1xi32>
    %eq3A_451 = vector.broadcast %slice3A_450 : vector<512x1xi32> to vector<512x128xi32>
    %eq3A_452 = arith.cmpi eq, %eq3A_451, %add3A_449 : vector<512x128xi32>
    %slice3A_453 = vector.extract_strided_slice %add3A_4 {offsets = [0, 19], sizes = [512, 1], strides = [1, 1]} : vector<512x26xi32> to vector<512x1xi32>
    %eq3A_454 = vector.broadcast %slice3A_453 : vector<512x1xi32> to vector<512x128xi32>
    %eq3A_455 = arith.cmpi eq, %eq3A_454, %add3A_449 : vector<512x128xi32>
    %or3A_456 = arith.ori %eq3A_452, %eq3A_455 : vector<512x128xi1>
    %swap3A_457 = arith.constant 0 : index
    %swap3A_458 = arith.constant 3712 : index
    %swap3A_459 = vector.load %arg2[%swap3A_457, %swap3A_458] : memref<512x5200xi32, #tpu.memory_space<vmem>>, vector<512x128xi32>
    %swap3A_460 = arith.extui %or3A_456 : vector<512x128xi1> to vector<512x128xi32>
    %swap3A_461 = arith.constant dense<0> : vector<512x128xi32>
    %swap3A_462 = arith.cmpi ne, %swap3A_459, %swap3A_461 : vector<512x128xi32>
    tpu.vector_store %arg2[%swap3A_457, %swap3A_458], %swap3A_460 {strides = array<i32>} : memref<512x5200xi32, #tpu.memory_space<vmem>>, vector<512x128xi32>,
    %iota3A_463 = tpu.iota {dimensions = array<i32: 1>} : vector<512x128xi32>
    %add3A_464 = arith.constant 3840 : i32
    %add3A_465 = vector.broadcast %add3A_464 : i32 to vector<512x128xi32>
    %add3A_466 = arith.addi %add3A_465, %iota3A_463 : vector<512x128xi32>
    %slice3A_467 = vector.extract_strided_slice %add3A_4 {offsets = [0, 19], sizes = [512, 1], strides = [1, 1]} : vector<512x26xi32> to vector<512x1xi32>
    %eq3A_468 = vector.broadcast %slice3A_467 : vector<512x1xi32> to vector<512x128xi32>
    %eq3A_469 = arith.cmpi eq, %eq3A_468, %add3A_466 : vector<512x128xi32>
    %swap3A_470 = arith.constant 0 : index
    %swap3A_471 = arith.constant 3840 : index
    %swap3A_472 = vector.load %arg2[%swap3A_470, %swap3A_471] : memref<512x5200xi32, #tpu.memory_space<vmem>>, vector<512x128xi32>
    %swap3A_473 = arith.extui %eq3A_469 : vector<512x128xi1> to vector<512x128xi32>
    %swap3A_474 = arith.constant dense<0> : vector<512x128xi32>
    %swap3A_475 = arith.cmpi ne, %swap3A_472, %swap3A_474 : vector<512x128xi32>
    tpu.vector_store %arg2[%swap3A_470, %swap3A_471], %swap3A_473 {strides = array<i32>} : memref<512x5200xi32, #tpu.memory_space<vmem>>, vector<512x128xi32>,
    %iota3A_476 = tpu.iota {dimensions = array<i32: 1>} : vector<512x128xi32>
    %add3A_477 = arith.constant 3968 : i32
    %add3A_478 = vector.broadcast %add3A_477 : i32 to vector<512x128xi32>
    %add3A_479 = arith.addi %add3A_478, %iota3A_476 : vector<512x128xi32>
    %slice3A_480 = vector.extract_strided_slice %add3A_4 {offsets = [0, 19], sizes = [512, 1], strides = [1, 1]} : vector<512x26xi32> to vector<512x1xi32>
    %eq3A_481 = vector.broadcast %slice3A_480 : vector<512x1xi32> to vector<512x128xi32>
    %eq3A_482 = arith.cmpi eq, %eq3A_481, %add3A_479 : vector<512x128xi32>
    %slice3A_483 = vector.extract_strided_slice %add3A_4 {offsets = [0, 20], sizes = [512, 1], strides = [1, 1]} : vector<512x26xi32> to vector<512x1xi32>
    %eq3A_484 = vector.broadcast %slice3A_483 : vector<512x1xi32> to vector<512x128xi32>
    %eq3A_485 = arith.cmpi eq, %eq3A_484, %add3A_479 : vector<512x128xi32>
    %or3A_486 = arith.ori %eq3A_482, %eq3A_485 : vector<512x128xi1>
    %swap3A_487 = arith.constant 0 : index
    %swap3A_488 = arith.constant 3968 : index
    %swap3A_489 = vector.load %arg2[%swap3A_487, %swap3A_488] : memref<512x5200xi32, #tpu.memory_space<vmem>>, vector<512x128xi32>
    %swap3A_490 = arith.extui %or3A_486 : vector<512x128xi1> to vector<512x128xi32>
    %swap3A_491 = arith.constant dense<0> : vector<512x128xi32>
    %swap3A_492 = arith.cmpi ne, %swap3A_489, %swap3A_491 : vector<512x128xi32>
    tpu.vector_store %arg2[%swap3A_487, %swap3A_488], %swap3A_490 {strides = array<i32>} : memref<512x5200xi32, #tpu.memory_space<vmem>>, vector<512x128xi32>,
    %iota3A_493 = tpu.iota {dimensions = array<i32: 1>} : vector<512x128xi32>
    %add3A_494 = arith.constant 4096 : i32
    %add3A_495 = vector.broadcast %add3A_494 : i32 to vector<512x128xi32>
    %add3A_496 = arith.addi %add3A_495, %iota3A_493 : vector<512x128xi32>
    %slice3A_497 = vector.extract_strided_slice %add3A_4 {offsets = [0, 20], sizes = [512, 1], strides = [1, 1]} : vector<512x26xi32> to vector<512x1xi32>
    %eq3A_498 = vector.broadcast %slice3A_497 : vector<512x1xi32> to vector<512x128xi32>
    %eq3A_499 = arith.cmpi eq, %eq3A_498, %add3A_496 : vector<512x128xi32>
    %slice3A_500 = vector.extract_strided_slice %add3A_4 {offsets = [0, 21], sizes = [512, 1], strides = [1, 1]} : vector<512x26xi32> to vector<512x1xi32>
    %eq3A_501 = vector.broadcast %slice3A_500 : vector<512x1xi32> to vector<512x128xi32>
    %eq3A_502 = arith.cmpi eq, %eq3A_501, %add3A_496 : vector<512x128xi32>
    %or3A_503 = arith.ori %eq3A_499, %eq3A_502 : vector<512x128xi1>
    %swap3A_504 = arith.constant 0 : index
    %swap3A_505 = arith.constant 4096 : index
    %swap3A_506 = vector.load %arg2[%swap3A_504, %swap3A_505] : memref<512x5200xi32, #tpu.memory_space<vmem>>, vector<512x128xi32>
    %swap3A_507 = arith.extui %or3A_503 : vector<512x128xi1> to vector<512x128xi32>
    %swap3A_508 = arith.constant dense<0> : vector<512x128xi32>
    %swap3A_509 = arith.cmpi ne, %swap3A_506, %swap3A_508 : vector<512x128xi32>
    tpu.vector_store %arg2[%swap3A_504, %swap3A_505], %swap3A_507 {strides = array<i32>} : memref<512x5200xi32, #tpu.memory_space<vmem>>, vector<512x128xi32>,
    %iota3A_510 = tpu.iota {dimensions = array<i32: 1>} : vector<512x128xi32>
    %add3A_511 = arith.constant 4224 : i32
    %add3A_512 = vector.broadcast %add3A_511 : i32 to vector<512x128xi32>
    %add3A_513 = arith.addi %add3A_512, %iota3A_510 : vector<512x128xi32>
    %slice3A_514 = vector.extract_strided_slice %add3A_4 {offsets = [0, 21], sizes = [512, 1], strides = [1, 1]} : vector<512x26xi32> to vector<512x1xi32>
    %eq3A_515 = vector.broadcast %slice3A_514 : vector<512x1xi32> to vector<512x128xi32>
    %eq3A_516 = arith.cmpi eq, %eq3A_515, %add3A_513 : vector<512x128xi32>
    %swap3A_517 = arith.constant 0 : index
    %swap3A_518 = arith.constant 4224 : index
    %swap3A_519 = vector.load %arg2[%swap3A_517, %swap3A_518] : memref<512x5200xi32, #tpu.memory_space<vmem>>, vector<512x128xi32>
    %swap3A_520 = arith.extui %eq3A_516 : vector<512x128xi1> to vector<512x128xi32>
    %swap3A_521 = arith.constant dense<0> : vector<512x128xi32>
    %swap3A_522 = arith.cmpi ne, %swap3A_519, %swap3A_521 : vector<512x128xi32>
    tpu.vector_store %arg2[%swap3A_517, %swap3A_518], %swap3A_520 {strides = array<i32>} : memref<512x5200xi32, #tpu.memory_space<vmem>>, vector<512x128xi32>,
    %iota3A_523 = tpu.iota {dimensions = array<i32: 1>} : vector<512x128xi32>
    %add3A_524 = arith.constant 4352 : i32
    %add3A_525 = vector.broadcast %add3A_524 : i32 to vector<512x128xi32>
    %add3A_526 = arith.addi %add3A_525, %iota3A_523 : vector<512x128xi32>
    %slice3A_527 = vector.extract_strided_slice %add3A_4 {offsets = [0, 21], sizes = [512, 1], strides = [1, 1]} : vector<512x26xi32> to vector<512x1xi32>
    %eq3A_528 = vector.broadcast %slice3A_527 : vector<512x1xi32> to vector<512x128xi32>
    %eq3A_529 = arith.cmpi eq, %eq3A_528, %add3A_526 : vector<512x128xi32>
    %slice3A_530 = vector.extract_strided_slice %add3A_4 {offsets = [0, 22], sizes = [512, 1], strides = [1, 1]} : vector<512x26xi32> to vector<512x1xi32>
    %eq3A_531 = vector.broadcast %slice3A_530 : vector<512x1xi32> to vector<512x128xi32>
    %eq3A_532 = arith.cmpi eq, %eq3A_531, %add3A_526 : vector<512x128xi32>
    %or3A_533 = arith.ori %eq3A_529, %eq3A_532 : vector<512x128xi1>
    %swap3A_534 = arith.constant 0 : index
    %swap3A_535 = arith.constant 4352 : index
    %swap3A_536 = vector.load %arg2[%swap3A_534, %swap3A_535] : memref<512x5200xi32, #tpu.memory_space<vmem>>, vector<512x128xi32>
    %swap3A_537 = arith.extui %or3A_533 : vector<512x128xi1> to vector<512x128xi32>
    %swap3A_538 = arith.constant dense<0> : vector<512x128xi32>
    %swap3A_539 = arith.cmpi ne, %swap3A_536, %swap3A_538 : vector<512x128xi32>
    tpu.vector_store %arg2[%swap3A_534, %swap3A_535], %swap3A_537 {strides = array<i32>} : memref<512x5200xi32, #tpu.memory_space<vmem>>, vector<512x128xi32>,
    %iota3A_540 = tpu.iota {dimensions = array<i32: 1>} : vector<512x128xi32>
    %add3A_541 = arith.constant 4480 : i32
    %add3A_542 = vector.broadcast %add3A_541 : i32 to vector<512x128xi32>
    %add3A_543 = arith.addi %add3A_542, %iota3A_540 : vector<512x128xi32>
    %slice3A_544 = vector.extract_strided_slice %add3A_4 {offsets = [0, 22], sizes = [512, 1], strides = [1, 1]} : vector<512x26xi32> to vector<512x1xi32>
    %eq3A_545 = vector.broadcast %slice3A_544 : vector<512x1xi32> to vector<512x128xi32>
    %eq3A_546 = arith.cmpi eq, %eq3A_545, %add3A_543 : vector<512x128xi32>
    %slice3A_547 = vector.extract_strided_slice %add3A_4 {offsets = [0, 23], sizes = [512, 1], strides = [1, 1]} : vector<512x26xi32> to vector<512x1xi32>
    %eq3A_548 = vector.broadcast %slice3A_547 : vector<512x1xi32> to vector<512x128xi32>
    %eq3A_549 = arith.cmpi eq, %eq3A_548, %add3A_543 : vector<512x128xi32>
    %or3A_550 = arith.ori %eq3A_546, %eq3A_549 : vector<512x128xi1>
    %swap3A_551 = arith.constant 0 : index
    %swap3A_552 = arith.constant 4480 : index
    %swap3A_553 = vector.load %arg2[%swap3A_551, %swap3A_552] : memref<512x5200xi32, #tpu.memory_space<vmem>>, vector<512x128xi32>
    %swap3A_554 = arith.extui %or3A_550 : vector<512x128xi1> to vector<512x128xi32>
    %swap3A_555 = arith.constant dense<0> : vector<512x128xi32>
    %swap3A_556 = arith.cmpi ne, %swap3A_553, %swap3A_555 : vector<512x128xi32>
    tpu.vector_store %arg2[%swap3A_551, %swap3A_552], %swap3A_554 {strides = array<i32>} : memref<512x5200xi32, #tpu.memory_space<vmem>>, vector<512x128xi32>,
    %iota3A_557 = tpu.iota {dimensions = array<i32: 1>} : vector<512x128xi32>
    %add3A_558 = arith.constant 4608 : i32
    %add3A_559 = vector.broadcast %add3A_558 : i32 to vector<512x128xi32>
    %add3A_560 = arith.addi %add3A_559, %iota3A_557 : vector<512x128xi32>
    %slice3A_561 = vector.extract_strided_slice %add3A_4 {offsets = [0, 23], sizes = [512, 1], strides = [1, 1]} : vector<512x26xi32> to vector<512x1xi32>
    %eq3A_562 = vector.broadcast %slice3A_561 : vector<512x1xi32> to vector<512x128xi32>
    %eq3A_563 = arith.cmpi eq, %eq3A_562, %add3A_560 : vector<512x128xi32>
    %swap3A_564 = arith.constant 0 : index
    %swap3A_565 = arith.constant 4608 : index
    %swap3A_566 = vector.load %arg2[%swap3A_564, %swap3A_565] : memref<512x5200xi32, #tpu.memory_space<vmem>>, vector<512x128xi32>
    %swap3A_567 = arith.extui %eq3A_563 : vector<512x128xi1> to vector<512x128xi32>
    %swap3A_568 = arith.constant dense<0> : vector<512x128xi32>
    %swap3A_569 = arith.cmpi ne, %swap3A_566, %swap3A_568 : vector<512x128xi32>
    tpu.vector_store %arg2[%swap3A_564, %swap3A_565], %swap3A_567 {strides = array<i32>} : memref<512x5200xi32, #tpu.memory_space<vmem>>, vector<512x128xi32>,
    %iota3A_570 = tpu.iota {dimensions = array<i32: 1>} : vector<512x128xi32>
    %add3A_571 = arith.constant 4736 : i32
    %add3A_572 = vector.broadcast %add3A_571 : i32 to vector<512x128xi32>
    %add3A_573 = arith.addi %add3A_572, %iota3A_570 : vector<512x128xi32>
    %slice3A_574 = vector.extract_strided_slice %add3A_4 {offsets = [0, 23], sizes = [512, 1], strides = [1, 1]} : vector<512x26xi32> to vector<512x1xi32>
    %eq3A_575 = vector.broadcast %slice3A_574 : vector<512x1xi32> to vector<512x128xi32>
    %eq3A_576 = arith.cmpi eq, %eq3A_575, %add3A_573 : vector<512x128xi32>
    %slice3A_577 = vector.extract_strided_slice %add3A_4 {offsets = [0, 24], sizes = [512, 1], strides = [1, 1]} : vector<512x26xi32> to vector<512x1xi32>
    %eq3A_578 = vector.broadcast %slice3A_577 : vector<512x1xi32> to vector<512x128xi32>
    %eq3A_579 = arith.cmpi eq, %eq3A_578, %add3A_573 : vector<512x128xi32>
    %or3A_580 = arith.ori %eq3A_576, %eq3A_579 : vector<512x128xi1>
    %swap3A_581 = arith.constant 0 : index
    %swap3A_582 = arith.constant 4736 : index
    %swap3A_583 = vector.load %arg2[%swap3A_581, %swap3A_582] : memref<512x5200xi32, #tpu.memory_space<vmem>>, vector<512x128xi32>
    %swap3A_584 = arith.extui %or3A_580 : vector<512x128xi1> to vector<512x128xi32>
    %swap3A_585 = arith.constant dense<0> : vector<512x128xi32>
    %swap3A_586 = arith.cmpi ne, %swap3A_583, %swap3A_585 : vector<512x128xi32>
    tpu.vector_store %arg2[%swap3A_581, %swap3A_582], %swap3A_584 {strides = array<i32>} : memref<512x5200xi32, #tpu.memory_space<vmem>>, vector<512x128xi32>,
    %iota3A_587 = tpu.iota {dimensions = array<i32: 1>} : vector<512x128xi32>
    %add3A_588 = arith.constant 4864 : i32
    %add3A_589 = vector.broadcast %add3A_588 : i32 to vector<512x128xi32>
    %add3A_590 = arith.addi %add3A_589, %iota3A_587 : vector<512x128xi32>
    %slice3A_591 = vector.extract_strided_slice %add3A_4 {offsets = [0, 24], sizes = [512, 1], strides = [1, 1]} : vector<512x26xi32> to vector<512x1xi32>
    %eq3A_592 = vector.broadcast %slice3A_591 : vector<512x1xi32> to vector<512x128xi32>
    %eq3A_593 = arith.cmpi eq, %eq3A_592, %add3A_590 : vector<512x128xi32>
    %swap3A_594 = arith.constant 0 : index
    %swap3A_595 = arith.constant 4864 : index
    %swap3A_596 = vector.load %arg2[%swap3A_594, %swap3A_595] : memref<512x5200xi32, #tpu.memory_space<vmem>>, vector<512x128xi32>
    %swap3A_597 = arith.extui %eq3A_593 : vector<512x128xi1> to vector<512x128xi32>
    %swap3A_598 = arith.constant dense<0> : vector<512x128xi32>
    %swap3A_599 = arith.cmpi ne, %swap3A_596, %swap3A_598 : vector<512x128xi32>
    tpu.vector_store %arg2[%swap3A_594, %swap3A_595], %swap3A_597 {strides = array<i32>} : memref<512x5200xi32, #tpu.memory_space<vmem>>, vector<512x128xi32>,
    %iota3A_600 = tpu.iota {dimensions = array<i32: 1>} : vector<512x128xi32>
    %add3A_601 = arith.constant 4992 : i32
    %add3A_602 = vector.broadcast %add3A_601 : i32 to vector<512x128xi32>
    %add3A_603 = arith.addi %add3A_602, %iota3A_600 : vector<512x128xi32>
    %slice3A_604 = vector.extract_strided_slice %add3A_4 {offsets = [0, 24], sizes = [512, 1], strides = [1, 1]} : vector<512x26xi32> to vector<512x1xi32>
    %eq3A_605 = vector.broadcast %slice3A_604 : vector<512x1xi32> to vector<512x128xi32>
    %eq3A_606 = arith.cmpi eq, %eq3A_605, %add3A_603 : vector<512x128xi32>
    %slice3A_607 = vector.extract_strided_slice %add3A_4 {offsets = [0, 25], sizes = [512, 1], strides = [1, 1]} : vector<512x26xi32> to vector<512x1xi32>
    %eq3A_608 = vector.broadcast %slice3A_607 : vector<512x1xi32> to vector<512x128xi32>
    %eq3A_609 = arith.cmpi eq, %eq3A_608, %add3A_603 : vector<512x128xi32>
    %or3A_610 = arith.ori %eq3A_606, %eq3A_609 : vector<512x128xi1>
    %swap3A_611 = arith.constant 0 : index
    %swap3A_612 = arith.constant 4992 : index
    %swap3A_613 = vector.load %arg2[%swap3A_611, %swap3A_612] : memref<512x5200xi32, #tpu.memory_space<vmem>>, vector<512x128xi32>
    %swap3A_614 = arith.extui %or3A_610 : vector<512x128xi1> to vector<512x128xi32>
    %swap3A_615 = arith.constant dense<0> : vector<512x128xi32>
    %swap3A_616 = arith.cmpi ne, %swap3A_613, %swap3A_615 : vector<512x128xi32>
    tpu.vector_store %arg2[%swap3A_611, %swap3A_612], %swap3A_614 {strides = array<i32>} : memref<512x5200xi32, #tpu.memory_space<vmem>>, vector<512x128xi32>,
    %iota3A_617 = tpu.iota {dimensions = array<i32: 1>} : vector<512x80xi32>
    %add3A_618 = arith.constant 5120 : i32
    %add3A_619 = vector.broadcast %add3A_618 : i32 to vector<512x80xi32>
    %add3A_620 = arith.addi %add3A_619, %iota3A_617 : vector<512x80xi32>
    %slice3A_621 = vector.extract_strided_slice %add3A_4 {offsets = [0, 25], sizes = [512, 1], strides = [1, 1]} : vector<512x26xi32> to vector<512x1xi32>
    %eq3A_622 = vector.broadcast %slice3A_621 : vector<512x1xi32> to vector<512x80xi32>
    %eq3A_623 = arith.cmpi eq, %eq3A_622, %add3A_620 : vector<512x80xi32>
    %swap3A_624 = arith.constant 0 : index
    %swap3A_625 = arith.constant 5120 : index
    %swap3A_626 = vector.load %arg2[%swap3A_624, %swap3A_625] : memref<512x5200xi32, #tpu.memory_space<vmem>>, vector<512x80xi32>
    %swap3A_627 = arith.extui %eq3A_623 : vector<512x80xi1> to vector<512x80xi32>
    %swap3A_628 = arith.constant dense<0> : vector<512x80xi32>
    %swap3A_629 = arith.cmpi ne, %swap3A_626, %swap3A_628 : vector<512x80xi32>
    tpu.vector_store %arg2[%swap3A_624, %swap3A_625], %swap3A_627 {strides = array<i32>} : memref<512x5200xi32, #tpu.memory_space<vmem>>, vector<512x80xi32>,
    return
  }
  func.func @transform_0(%arg0: i32) -> (i32, i32) {
    %c0_i32 = arith.constant 0 : i32
    %c0_i32_0 = arith.constant 0 : i32
    return %arg0, %c0_i32 : i32, i32
  }
  func.func @transform_1(%arg0: i32) -> (i32, i32) {
    %c0_i32 = arith.constant 0 : i32
    %c0_i32_0 = arith.constant 0 : i32
    return %arg0, %c0_i32 : i32, i32
  }
}

</mosaic_0001>

<sc_bundles>
// kernel: sparse-core-data-format-call.cloned.1.call-start
scs
called_computation_lowered:
.L_overlay_start_0:
0x0: {  	s2 =	sld [smem:$0x3FD9]  }
0x1: {  	s3 =	sld [smem:$0x3FFE];
	_ =	sdelay $0x1  }
0x2: {  	s1 =	srdreg.scid  }
0x3: {  	s0 =	sand.u32 $0x1, s1  }
0x4: {  	s18 =	sshll.u32 s0, $0xA;
	s2 =	sadd.s32 s3, s2  }
0x5: {  	s2 =	sadd.s32 s2, s18  }
0x6: {  	[smem:$0x3FC7] =	sst s2  }
0x7: {  	_ = 	snop  }
0x8: {  	s2 =	sld [smem:$0x3FD0];
	(tm) =	ssettm $0x1  }
0x9: {  	s19 =	sld [smem:$0x3FFB];
	_ =	sdelay $0x3  }
0xa: {  	_ =	strace s19  }
0xb: {  	s3 =	sld [smem:$0x3FFC];
	_ =	sdelay $0x3  }
0xc: {  	_ =	strace s3  }
0xd: {  	s3 =	sld [smem:$0x3FFD];
	_ =	sdelay $0x3  }
0xe: {  	_ =	strace s3  }
0xf: {  	_ =	strace $0x8FFFFFFF  }
0x10: {  	s20 =	sld [smem:$0x3FDB];
	_ =	sdelay $0x1  }
0x11: {  	s4 =	simm.s32 $_scs_section_size  }
0x12: {  	s5 =	simm.s32 $_size__tile_overlayer_lowered;
	s6 =	simm.s32 $_tile_overlayer_lowered  }
0x13: {  	s23 =	simm.s32 $0x1BFF;
	s22 =	sshll.u32 s6, $0x1;
	s3 =	sadd.s32 s4, s20  }
0x14: {  	s7 =	simm.s32 $0x0;
	s21 =	sshll.u32 s5, $0x1;
	s5 =	sadd.s32 s22, s3  }
0x15: {  	[timem:s7], [sflag:s23] =	dma.local [hbm:s5], s21  }
0x16: {  	_ =	swait.ge [sflag:s23], s21  }
0x17: {  	s4 =	ssub.s32 $0x0, s21;
	[sflag:s23] =	ssyncset.done $0x0  }
0x18: {  	[sflag:s23] =	ssyncadd.s32 s4;
	_ =	sdelay $0x1  }
0x19: {  	s24 =	simm.s32 $0x1B8B  }
0x1a: {  	_ =	swait.ge [sflag:s24], $0x1  }
0x1b: {  	[sflag:s24] =	ssyncset.done $0x0  }
0x1c: {  	s26 =	simm.s32 $0x1B8E;
	s25 =	sld [smem:$0x3FFE];
	[sflag:s24] =	ssyncadd.s32 $0xFFFFFFFF  }
0x1d: {  	s27 =	simm.s32 $execute0_lowered;
	[smem:$0x3FD2] =	sst s26  }
0x1e: {  	s5 =	sshll.u32 s27, $0x1;
	_ =	strace $0x80000046;
	[dreg:$0x1] =	wrdreg $0xFFFFFFFF  }
0x1f: {  	s28 =	simm.s32 $_size_execute0_lowered;
	s3 =	sadd.s32 s3, s5;
	[dreg:$0x0] =	wrdreg $0x0  }
0x20: {  	s5 =	sshll.u32 s28, $0x1;
	[dreg:$0x2] =	wrdreg s3  }
0x21: {  	[dreg:$0x3] =	wrdreg s5  }
0x22: {  	[dreg:$0x4] =	wrdreg $0xC0  }
0x23: {  	_ =	task [dreg:s7], $0x5FFFF  }
0x24: {  	[dreg:$0x1] =	wrdreg $0xFFFFFFFF  }
0x25: {  	[dreg:$0x0] =	wrdreg $0x60  }
0x26: {  	[dreg:$0x2] =	wrdreg s25  }
0x27: {  	[dreg:$0x3] =	wrdreg s2  }
0x28: {  	[dreg:$0x4] =	wrdreg $0x9  }
0x29: {  	_ =	task.clear_ibuf [dreg:s7], $0x5FFFF;
	_ =	strace $0x90000046  }
0x2a: {  	s29 =	simm.s32 $0x9;
	_ =	strace $0x80000048  }
0x2b: {  	_ =	swait.ge [sflag:s29], $0x1  }
0x2c: {  	[sflag:s29] =	ssyncadd.s32 $0xFFFFFFFF  }
0x2d: {  	_ =	strace $0x90000048  }
0x2e: {  	_ =	sfence  }
0x2f: {  	s30 =	sld [smem:$0x0];
	_ =	sdelay $0x2  }
0x30: {  	s31 =	sshll.u32 s1, $0xD;
	s1 =	sshrl.u32 s1, $0x2  }
0x31: {  	s3 =	sand.u32 $0x4000, s31;
	s1 =	sadd.s32 s1, s30  }
0x32: {  	s0 =	sor.u32 s3, s0;
	s1 =	sshll.u32 s1, $0x11  }
0x33: {  	s0 =	sor.u32 s1, s0  }
0x34: {  	s0 =	sadd.s32 $0x8F2B, s0  }
0x35: {  	[sflag:s0] =	ssyncadd.remote.s32 $0x1  }
0x36: {  	_ =	sfence.sel $0xFFFF  }
0x37: {  	[dreg:$0x0] =	wrdreg $0xFFFFFFFF;
	(pc) =	sbr.abs _section_cstart, $3  }
0x38: {  	[dreg:$0x1] =	wrdreg $0xFFFFFFFF  }
0x39: {  	_ =	task.clear_ibuf [dreg:s7], $0x2FFFF;
	_ =	strace $0x9FFFFFFF  }
0x3a: {  	(tm) =	ssettm $0x7FFFFFFF  }
0x3b: {  	_ =	shalt  }
tec
execute0_lowered:
.L_overlay_start_1:
0x0: {  	(tag) =	ssettag $0x1  }
0x1: {  	s0 =	srdreg.scid  }
0x2: {  	s1 =	sshll.u32 s0, $0x4  }
0x3: {  	s6 =	rddreg [dreg:$0x0];
	s0 =	stileid.u32;
	s1 =	sand.u32 $0x10, s1  }
0x4: {  	s3 =	rddreg [dreg:$0x1];
	s1 =	sor.u32 s0, s1  }
0x5: {  	s5 =	simm.s32 $0x1;
	s31 =	simm.s32 $0x2;
	s2 =	sshll.u32 s1, $0x7  }
0x6: {  	s15 =	simm.s32 $0x0;
	s8 =	simm.s32 $0x8000;
	s4 =	ssub.s32 $0x1000, s2  }
0x7: {  	s14 =	simm.s32 $0x0;
	s9 =	simm.s32 $0x0;
	s30 =	sand.u32 $0xF80, s4  }
0x8: {  	s10 =	simm.s32 $0x0;
	s11 =	simm.s32 $0x0;
	p0 =	sne.s32 s30, $0x0  }
.Ltmp0:
0x9: {  	s7 =	sshrl.u32 s4, $0xC;
	s5 =	simm.s32 @!p0 $0x0;
	(pc) =	sbr.rel .LBB1_1-.Ltmp0, $4  }
0xa: {  	s13 =	simm.s32 $0x0;
	s1 =	rddreg [dreg:$0x2];
	s5 =	sadd.s32 s5, s7  }
0xb: {  	_ =	strace $0x80000047;
	s4 =	simm.s32 $0x1;
	s5 =	smul.u32 $0x29, s5  }
0xc: {  	s6 =	sadd.s32 $0x2400, s6;
	s12 =	smov.u32 s2;
	[sflag:s4] =	ssyncpa.u1 $0x0  }
0xd: {  	[sflag:s31] =	ssyncpa.u1 $0x0;
	p0 =	por $0x0, $0x0;
	s7 =	sadd.s32 $0x1, s5  }
.LBB1_4:
0xe: {  	s20 =	sshra.s32 s20, $0x2  }
0xf: {  	s28 =	sand.u32 $0x78, s10;
	s21 =	sshll.u32 s9, $0xC;
	s22 =	sshll.u32 s10, $0x3  }
0x10: {  	s24 =	sshll.u32 s9, $0x7;
	p1 =	sgt.s32 s9, $0x13D0;
	s30 =	sshra.s32 s9, $0x1F  }
0x11: {  	s26 =	sshra.s32 s10, $0x1F;
	s19 =	sadd.s32 s20, s19;
	s21 =	sand.u32 $0xFFFF8000, s21  }
0x12: {  	v5 =	vld [tilespmem:s17+$0xFFFFFFD0];
	[tilespmem:s18+$0x2040 ss:$0x81] =	vst.msk $0xffff, v4;
	s23 =	sand.u32 $0xFFFFFC00, s22;
	s29 =	sand.u32 $0x380, s24;
	s22 =	sand.u32 $0xC00, s22  }
0x13: {  	v58 =	vld [tilespmem:s17+$0xFFFFFFE0];
	[tilespmem:s18+$0x2850 ss:$0x81] =	vst.msk $0xffff, v3;
	s21 =	sadd.s32 s23, s21;
	s20 =	sor.u32 s28, s22;
	s22 =	smov.u32 s9  }
0x14: {  	v59 =	vld [tilespmem:s17+$0xFFFFFFF0];
	[tilespmem:s18+$0x3060 ss:$0x81] =	vst.msk $0xffff, v2;
	s24 =	sand.u32 s30, s9;
	s21 =	sshrl.u32 s21, $0xC;
	s22 =	simm.s32 @!p1 $0x13D0  }
0x15: {  	v60 =	vld [tilespmem:s17+$0x0];
	[tilespmem:s18+$0x0 ss:$0x81] =	vst.msk $0xffff, v1;
	p1 =	sgt.s32 s10, $0xF80;
	s31 =	ssub.s32 s22, s24;
	s22 =	smov.u32 s10  }
0x16: {  	v61 =	vld [tilespmem:s17+$0x10];
	[tilespmem:s19+$0x3870 ss:$0x81] =	vst.msk $0xffff, v0;
	s25 =	smulhi.u32 $0xC9A64, s21;
	s24 =	sand.u32 s26, s10;
	s22 =	simm.s32 @!p1 $0xF80  }
0x17: {  	v62 =	vld [tilespmem:s17+$0x20];
	s20 =	sor.u32 s29, s20;
	[tilespmem:s19+$0x810 ss:$0x81] =	vst.msk $0xffff, v5;
	s27 =	sadd.s32 $0xFFFFEC30, s31;
	s22 =	ssub.s32 s22, s24  }
0x18: {  	v63 =	vld [tilespmem:s17+$0xFFFFFFC0];
	[tilespmem:s19+$0x1020 ss:$0x81] =	vst.msk $0xffff, v58;
	s18 =	ssub.s32 $0x1450, s31;
	s28 =	smul.u32 $0x1450, s25;
	s29 =	sadd.s32 $0xFFFFF080, s22  }
0x19: {  	[tilespmem:s19+$0x1830 ss:$0x81] =	vst.msk $0xffff, v59;
	p1 =	sgt.s32 s27, $0x7F;
	s22 =	ssub.s32 $0x1000, s22;
	p2 =	sgt.s32 s29, $0x7F  }
0x1a: {  	s30 =	sand.u32 $0x7, s10;
	[tilespmem:s19+$0x2040 ss:$0x81] =	vst.msk $0xffff, v60;
	s18 =	simm.s32 @p1 $0x0;
	s22 =	simm.s32 @p2 $0x0  }
0x1b: {  	s20 =	sshrl.u32 s20, $0x3;
	[tilespmem:s19+$0x2850 ss:$0x81] =	vst.msk $0xffff, v61;
	s17 =	ssub.s32 s21, s28;
	s18 =	smul.u32 s22, s18  }
0x1c: {  	[tilespmem:s19+$0x3060 ss:$0x81] =	vst.msk $0xffff, v62;
	s20 =	sadd.s32 s3, s20;
	s21 =	sshll.u32 s30, $0x12;
	s17 =	sshll.u32 s17, $0x9  }
0x1d: {  	[tilespmem:s19+$0x0 ss:$0x81] =	vst.msk $0xffff, v63;
	s31 =	sor.u32 $0x400, s21;
	s17 =	sadd.s32 s17, s20;
	s18 =	sand.u32 $0x3FFFFFFF, s18  }
0x1e: {  	[hbm4b:s17+s31] =	stream.strided.scatter [tilespmem:s16], [sflag:$0x2], s18, s8, s31, $0x20;
	[tilespmem:$0x10100] =	vst v63  }
.LBB1_5:
0x1f: {  	p1 =	slt.u32 s13, $0x2  }
0x20: {  	s17 =	smov.u32 s15;
	p2 =	sgt.s32 @!p1 s15, $0x13D0;
	s16 =	sshra.s32 @!p1 s15, $0x1F  }
0x21: {  	p3 =	sgt.s32 @!p1 s14, $0xF80;
	s18 =	sshra.s32 @!p1 s14, $0x1F;
	p2 =	por !p2, p1  }
0x22: {  	s15 =	sand.u32 @!p1 s16, s15;
	p3 =	por !p3, p1;
	s16 =	smov.u32 s14  }
0x23: {  	s14 =	sand.u32 @!p1 s18, s14;
	s17 =	simm.s32 @p2 $0x13D0;
	s16 =	simm.s32 @p3 $0xF80  }
0x24: {  	s15 =	ssub.s32 @!p1 s17, s15;
	s14 =	ssub.s32 @!p1 s16, s14  }
0x25: {  	s18 =	smov.u32 s12;
	s16 =	sadd.s32 @!p1 $0xFFFFEC30, s15;
	s17 =	sadd.s32 @!p1 $0xFFFFF080, s14  }
0x26: {  	s15 =	ssub.s32 @!p1 $0x1450, s15;
	p2 =	sgt.s32 @!p1 s16, $0x7F;
	p3 =	sgt.s32 @!p1 s17, $0x7F  }
0x27: {  	s14 =	ssub.s32 @!p1 $0x1000, s14;
	p2 =	por !p2, p1;
	p3 =	por !p3, p1  }
0x28: {  	s16 =	sadd.s32 $0x80, s11;
	s15 =	simm.s32 @!p2 $0x0;
	s14 =	simm.s32 @!p3 $0x0  }
0x29: {  	p2 =	sgt.s32 s16, $0x144F;
	s14 =	smul.u32 @!p1 s14, s15;
	s15 =	sadd.s32 $0x1000, s12  }
0x2a: {  	s18 =	smov.u32 @p2 s15  }
0x2b: {  	s16 =	simm.s32 @p2 $0x0;
	p2 =	sgt.s32 s18, $0xFFF  }
0x2c: {  	s18 =	smov.u32 @p2 s2;
	p2 =	sne.s32 s13, s7  }
.Ltmp1:
0x2d: {  	p0 =	por !p0, !p0;
	s17 =	simm.s32 @!p1 $0x2;
	(pc) =	sbr.rel @!p2 .LBB1_6-.Ltmp1, $4  }
0x2e: {  	s15 =	smov.u32 s9;
	s9 =	smov.u32 s11;
	s14 =	sand.u32 @!p1 $0x3FFFFFFF, s14  }
0x2f: {  	s11 =	smov.u32 s16;
	_ =	swait.ge @!p1 [sflag:s17], s14;
	s19 =	ssub.s32 @!p1 $0x0, s14  }
0x30: {  	s14 =	smov.u32 s10;
	s13 =	sadd.s32 $0x1, s13;
	[sflag:s17] =	ssyncset.done @!p1 $0x0  }
0x31: {  	s10 =	smov.u32 s12;
	s12 =	smov.u32 s18;
	[sflag:s17] =	ssyncadd.s32 @!p1 s19  }
.LBB1_1:
0x32: {  	p1 =	sge.u32 s13, s5  }
0x33: {  	s16 =	sshrl.u32 @!p1 s12, $0x3  }
0x34: {  	s17 =	sshll.u32 @!p1 s11, $0x3;
	s16 =	smul.u32 @!p1 $0xA400, s16  }
0x35: {  	s18 =	sshll.u32 @!p1 s12, $0x7;
	s17 =	sand.u32 @!p1 $0xFFFFFC00, s17  }
0x36: {  	s16 =	sadd.s32 @!p1 s16, s17;
	s17 =	sand.u32 @!p1 $0x380, s18  }
0x37: {  	s18 =	sand.u32 @!p1 $0x7F, s11;
	s16 =	sor.u32 @!p1 s17, s16  }
0x38: {  	s17 =	sor.u32 @!p1 s18, s16  }
0x39: {  	s18 =	smulhi.u32 @!p1 $0xC7CE0C7D, s17;
	_ =	sdelay $0x1  }
0x3a: {  	s16 =	smulhi.u32 @!p1 $0xC7CE0C7D, s16;
	s18 =	sshrl.u32 @!p1 s18, $0xC  }
0x3b: {  	s18 =	smul.u32 @!p1 $0x1480, s18  }
0x3c: {  	s31 =	sadd.s32 $0xFFFFFFFF, s13;
	s19 =	sxor.u32 @!p1 $0xFFFFFFFF, s13;
	s16 =	sshrl.u32 @!p1 s16, $0xC  }
0x3d: {  	s19 =	sshll.u32 @!p1 s19, $0xE;
	s16 =	sand.u32 @!p1 $0xFFF, s16;
	s17 =	ssub.s32 @!p1 s17, s18  }
0x3e: {  	s16 =	smul.u32 @!p1 $0x290, s16;
	s18 =	sshrl.u32 @!p1 s17, $0x3;
	s17 =	sand.u32 @!p1 $0x7, s17  }
0x3f: {  	s19 =	sand.u32 @!p1 $0x4000, s19;
	s18 =	sadd.s32 @!p1 s6, s18;
	s17 =	sshll.u32 @!p1 s17, $0x12  }
0x40: {  	s16 =	sadd.s32 @!p1 s16, s18;
	s17 =	sor.u32 @!p1 $0x400, s17;
	s18 =	simm.s32 @!p1 $0xA400  }
0x41: {  	[tilespmem:s19], [sflag:$0x1] =	stream.strided.gather @!p1 [hbm4b:s16+s17], $0x4000, s18, s17, $0x38;
	[tilespmem:$0x10100] =	vst v63  }
0x42: {  	p1 =	sge.u32 s31, s5  }
.Ltmp2:
0x43: {  	_ = 	snop;
	(pc) =	sbr.rel @p1 .LBB1_5-.Ltmp2, $1  }
0x44: {  	_ =	sdelay $0x3  }
0x45: {  	s16 =	simm.s32 $0x1  }
0x46: {  	_ =	swait.ge [sflag:s4], $0x4000;
	s16 =	simm.s32 @!p0 $0x0  }
0x47: {  	[sflag:s4] =	ssyncset.done $0x0;
	s17 =	sshll.u32 s16, $0xE  }
0x48: {  	[sflag:s4] =	ssyncadd.s32 $0xFFFFC000;
	s17 =	sor.u32 $0x40, s17  }
0x49: {  	s16 =	smul.u32 $0x10200, s16;
	v0 =	vld [tilespmem:s17+$0x30]  }
0x4a: {  	v1 =	vld [tilespmem:s17+$0xFFFFFFD0]  }
0x4b: {  	s16 =	sshrl.u32 s16, $0x2;
	v5 =	vld [tilespmem:s17+$0xFFFFFFE0]  }
0x4c: {  	v6 =	vld [tilespmem:s17+$0xFFFFFFF0];
	s19 =	sor.u32 $0x8000, s16  }
0x4d: {  	s31 =	sand.u32 $0x1, s13;
	v4 =	vld [tilespmem:s17+$0x0];
	s18 =	sadd.s32 $0x0, s19  }
0x4e: {  	v3 =	vld [tilespmem:s17+$0x10];
	s16 =	smul.u32 $0x10200, s31;
	[tilespmem:s18+$0x3870 ss:$0x81] =	vst.msk $0xffff, v0  }
0x4f: {  	v2 =	vld [tilespmem:s17+$0x20];
	[tilespmem:s18+$0x810 ss:$0x81] =	vst.msk $0xffff, v1  }
0x50: {  	s16 =	sshrl.u32 s16, $0x2;
	v1 =	vld [tilespmem:s17+$0xFFFFFFC0];
	[tilespmem:s18+$0x1020 ss:$0x81] =	vst.msk $0xffff, v5;
	s17 =	sadd.s32 $0x80, s17  }
0x51: {  	s20 =	simm.s32 $0x4;
	s21 =	simm.s32 $0x8;
	s16 =	sor.u32 $0x8000, s16;
	[tilespmem:s18+$0x1830 ss:$0x81] =	vst.msk $0xffff, v6;
	v0 =	vld [tilespmem:s17+$0x30]  }
.LBB1_3:
0x52: {  	p1 =	sne.s32 s21, $0x1FC;
	v5 =	vld [tilespmem:s17+$0xFFFFFFD0];
	[tilespmem:s18+$0x2040 ss:$0x81] =	vst.msk $0xffff, v4  }
0x53: {  	v6 =	vld [tilespmem:s17+$0xFFFFFFE0];
	[tilespmem:s18+$0x2850 ss:$0x81] =	vst.msk $0xffff, v3  }
0x54: {  	s22 =	sshra.s32 s20, $0x2;
	s20 =	smov.u32 s21;
	v7 =	vld [tilespmem:s17+$0xFFFFFFF0];
	[tilespmem:s18+$0x3060 ss:$0x81] =	vst.msk $0xffff, v2  }
.Ltmp3:
0x55: {  	v4 =	vld [tilespmem:s17+$0x0];
	[tilespmem:s18+$0x0 ss:$0x81] =	vst.msk $0xffff, v1;
	s18 =	sadd.s32 s22, s19;
	(pc) =	sbr.rel @p1 .LBB1_3-.Ltmp3, $4  }
0x56: {  	v3 =	vld [tilespmem:s17+$0x10];
	[tilespmem:s18+$0x3870 ss:$0x81] =	vst.msk $0xffff, v0  }
0x57: {  	[tilespmem:s18+$0x810 ss:$0x81] =	vst.msk $0xffff, v5;
	v2 =	vld [tilespmem:s17+$0x20]  }
0x58: {  	v1 =	vld [tilespmem:s17+$0xFFFFFFC0];
	[tilespmem:s18+$0x1020 ss:$0x81] =	vst.msk $0xffff, v6;
	s17 =	sadd.s32 $0x80, s17  }
0x59: {  	s21 =	sadd.s32 $0x4, s21;
	v0 =	vld [tilespmem:s17+$0x30];
	[tilespmem:s18+$0x1830 ss:$0x81] =	vst.msk $0xffff, v7  }
.Ltmp4:
0x5a: {  	_ = 	snop;
	(pc) =	sbr.rel .LBB1_4-.Ltmp4, $1  }
0x5b: {  	_ =	sdelay $0x3  }
.LBB1_6:
0x5c: {  	_ =	sfence.sel $0x180000  }
0x5d: {  	s2 =	simm.s32 $0x1;
	[bflag:$0x0] =	sbarrier.arrive $0xFFFF  }
0x5e: {  	s31 =	simm.s32 $0x2;
	[sflag:s2] =	ssyncpa.u1 $0x1  }
0x5f: {  	[sflag:s31] =	ssyncpa.u1 $0x1  }
0x60: {  	p0 =	sne.s32 s0, $0x0;
	_ =	strace $0x90000047  }
0x61: {  	s0 =	sadd.s32 @!p0 $0x100000, s1;
	[bflag:$0x2] =	sbarrier.arrive $0xFFFF  }
0x62: {  	[sflag:s0] =	ssyncadd.tile.s32 @!p0 $0x1;
	_ =	shalt  }
.Lfunc_end1:
_tile_overlayer_lowered:
.L_overlay_start_2:
0x63: {  	(tag) =	ssettag $0x2  }
0x64: {  	s0 =	rddreg [dreg:$0x0];
	s2 =	stileid.u32  }
0x65: {  	s1 =	rddreg [dreg:$0x1];
	p0 =	sne.s32 s2, $0x0  }
0x66: {  	s3 =	rddreg [dreg:$0x2];
	[bflag:$0x3] =	sbarrier.arrive $0xFFFF;
	s2 =	simm.s32 @!p0 $0x1C01  }
0x67: {  	[timem:s3], [sflag:s2] =	dma.local @!p0 [hbm:s0], s1  }
0x68: {  	s0 =	simm.s32 @!p0 $0x1  }
0x69: {  	_ =	swait.ge @!p0 [sflag:s0], s1  }
0x6a: {  	s1 =	ssub.s32 @!p0 $0x0, s1;
	[sflag:s0] =	ssyncset.done @!p0 $0x0  }
0x6b: {  	[sflag:s0] =	ssyncadd.s32 @!p0 s1  }
0x6c: {  	[bflag:$0x3] =	sbarrier.arrive $0xFFFF  }
0x6d: {  	_ =	shalt  }

</sc_bundles>
